<compile_context>
chip_gen: v7x
topology: tpu7x:2x2x1
jax: 0.10.2.dev20260603
libtpu: 0.0.44.dev20260713+nightly
codegen_flags: <defaults>
</compile_context>

<pallas_src>
import jax
import jax.numpy as jnp
import numpy as _np
from jax import lax
from jax.experimental import pallas as pl
from jax.experimental.pallas import tpu as pltpu
from jax.experimental.pallas import tpu_sc as plsc

N = 10000
E = 320000
H = 128
R = 128

LOG2 = 0.6931471805599453

NC = 2
NS = 16
CHUNK = 64
NCHUNK = E // CHUNK
MAX_ITERS = -(-NCHUNK // (NC * NS))
N_PAD = 10240
ROWS_PER_TILE = N_PAD // NS

def _ssp(v):
    return jnp.maximum(v, 0.0) + jnp.log(1.0 + jnp.exp(-jnp.abs(v))) - LOG2


def _h_body(x_ref, w_ref, b_ref, o_ref):
    o_ref[...] = (
        jnp.dot(x_ref[...], w_ref[...], preferred_element_type=jnp.float32)
        + b_ref[...]
    )


def _atomwise1(x, W1, b1):
    blk = 1000
    return pl.pallas_call(
        _h_body,
        grid=(N // blk,),
        in_specs=[
            pl.BlockSpec((blk, H), lambda i: (i, 0)),
            pl.BlockSpec((H, H), lambda i: (0, 0)),
            pl.BlockSpec((1, H), lambda i: (0, 0)),
        ],
        out_specs=pl.BlockSpec((blk, H), lambda i: (i, 0)),
        out_shape=jax.ShapeDtypeStruct((N, H), jnp.float32),
    )(x, W1, b1.reshape(1, H))


def _w_body(rbf_ref, wf1_ref, bf1_ref, wf2_ref, bf2_ref, o_ref):
    t = (
        jnp.dot(rbf_ref[...], wf1_ref[...], preferred_element_type=jnp.float32)
        + bf1_ref[...]
    )
    t = _ssp(t)
    o_ref[...] = (
        jnp.dot(t, wf2_ref[...], preferred_element_type=jnp.float32)
        + bf2_ref[...]
    )


def _filter_net(rbf, Wf1, bf1, Wf2, bf2):
    blk = 2000
    return pl.pallas_call(
        _w_body,
        grid=(E // blk,),
        in_specs=[
            pl.BlockSpec((blk, R), lambda i: (i, 0)),
            pl.BlockSpec((R, H), lambda i: (0, 0)),
            pl.BlockSpec((1, H), lambda i: (0, 0)),
            pl.BlockSpec((H, H), lambda i: (0, 0)),
            pl.BlockSpec((1, H), lambda i: (0, 0)),
        ],
        out_specs=pl.BlockSpec((blk, H), lambda i: (i, 0)),
        out_shape=jax.ShapeDtypeStruct((E, H), jnp.float32),
    )(rbf, Wf1, bf1.reshape(1, H), Wf2, bf2.reshape(1, H))



def _sc_body(h_hbm, src_hbm, dst_hbm, w_hbm, zeros_hbm, out_hbm,
             sslab, didx0, didx1, hrows0, hrows1, wrows0, wrows1, acc,
             sem_d0, sem_d1, sem_g0, sem_g1, sem_w0, sem_w1):
    c_id = lax.axis_index("c")
    s_id = lax.axis_index("s")
    g = c_id * NS + s_id
    c0 = (NCHUNK * g) // (NC * NS)
    cnt = (NCHUNK * (g + 1)) // (NC * NS) - c0

    bufs = (
        (didx0, hrows0, wrows0, sem_d0, sem_g0, sem_w0),
        (didx1, hrows1, wrows1, sem_d1, sem_g1, sem_w1),
    )

    pltpu.sync_copy(zeros_hbm, acc.at[pl.ds(s_id * ROWS_PER_TILE, ROWS_PER_TILE)])
    pltpu.sync_copy(src_hbm.at[pl.ds(c0 * CHUNK, MAX_ITERS * CHUNK)], sslab)
    plsc.subcore_barrier()

    def issue(i, b):
        didx, hrows, wrows, sem_d, sem_g, sem_w = bufs[b]
        pltpu.async_copy(dst_hbm.at[pl.ds((c0 + i) * CHUNK, CHUNK)], didx, sem_d)
        pltpu.async_copy(w_hbm.at[pl.ds((c0 + i) * CHUNK, CHUNK)], wrows, sem_w)
        pltpu.async_copy(h_hbm.at[sslab.at[pl.ds(i * CHUNK, CHUNK)]], hrows, sem_g)

    def wait_issue(i, b):
        didx, hrows, wrows, sem_d, sem_g, sem_w = bufs[b]
        pltpu.make_async_copy(
            dst_hbm.at[pl.ds((c0 + i) * CHUNK, CHUNK)], didx, sem_d).wait()
        pltpu.make_async_copy(
            w_hbm.at[pl.ds((c0 + i) * CHUNK, CHUNK)], wrows, sem_w).wait()
        pltpu.make_async_copy(
            h_hbm.at[sslab.at[pl.ds(i * CHUNK, CHUNK)]], hrows, sem_g).wait()

    issue(0, 0)

    def outer(k, carry):
        for b in range(2):
            i = k * 2 + b
            didx, hrows, wrows, _, _, _ = bufs[b]

            @pl.when(i + 1 < cnt)
            def _():
                issue(i + 1, 1 - b)

            @pl.when(i < cnt)
            def _():
                wait_issue(i, b)

                def mul_row(r, carry2):
                    for q in range(H // 16):
                        sl = pl.ds(q * 16, 16)
                        hrows[r, sl] = hrows[r, sl] * wrows[r, sl]
                    return carry2

                lax.fori_loop(0, CHUNK, mul_row, 0)
                pltpu.sync_copy(hrows, acc.at[didx], add=True)

        return carry

    lax.fori_loop(0, (MAX_ITERS + 1) // 2, outer, 0)
    plsc.subcore_barrier()

    pltpu.sync_copy(
        acc.at[pl.ds(s_id * ROWS_PER_TILE, ROWS_PER_TILE)],
        out_hbm.at[c_id, pl.ds(s_id * ROWS_PER_TILE, ROWS_PER_TILE)],
    )


def _cfconv_scatter(h, src_pad, dst_pad, w, zeros):
    mesh = plsc.VectorSubcoreMesh(core_axis_name="c", subcore_axis_name="s")
    fn = pl.kernel(
        _sc_body,
        mesh=mesh,
        out_type=jax.ShapeDtypeStruct((NC, N_PAD, H), jnp.float32),
        scratch_types=[
            pltpu.VMEM((MAX_ITERS * CHUNK,), jnp.int32),
            pltpu.VMEM((CHUNK,), jnp.int32),
            pltpu.VMEM((CHUNK,), jnp.int32),
            pltpu.VMEM((CHUNK, H), jnp.float32),
            pltpu.VMEM((CHUNK, H), jnp.float32),
            pltpu.VMEM((CHUNK, H), jnp.float32),
            pltpu.VMEM((CHUNK, H), jnp.float32),
            pltpu.VMEM_SHARED((N_PAD, H), jnp.float32),
            pltpu.SemaphoreType.DMA,
            pltpu.SemaphoreType.DMA,
            pltpu.SemaphoreType.DMA,
            pltpu.SemaphoreType.DMA,
            pltpu.SemaphoreType.DMA,
            pltpu.SemaphoreType.DMA,
        ],
    )
    return fn(h, src_pad, dst_pad, w, zeros)


def _f_body(p_ref, x_ref, w2_ref, b2_ref, w3_ref, b3_ref, o_ref):
    t = p_ref[0] + p_ref[1]
    t = jnp.dot(t, w2_ref[...], preferred_element_type=jnp.float32) + b2_ref[...]
    t = _ssp(t)
    o_ref[...] = (
        jnp.dot(t, w3_ref[...], preferred_element_type=jnp.float32)
        + b3_ref[...]
        + x_ref[...]
    )


def _tail(partials, x, W2, b2, W3, b3):
    blk = 1000
    return pl.pallas_call(
        _f_body,
        grid=(N // blk,),
        in_specs=[
            pl.BlockSpec((NC, blk, H), lambda i: (0, i, 0)),
            pl.BlockSpec((blk, H), lambda i: (i, 0)),
            pl.BlockSpec((H, H), lambda i: (0, 0)),
            pl.BlockSpec((1, H), lambda i: (0, 0)),
            pl.BlockSpec((H, H), lambda i: (0, 0)),
            pl.BlockSpec((1, H), lambda i: (0, 0)),
        ],
        out_specs=pl.BlockSpec((blk, H), lambda i: (i, 0)),
        out_shape=jax.ShapeDtypeStruct((N, H), jnp.float32),
    )(partials, x, W2, b2.reshape(1, H), W3, b3.reshape(1, H))


def kernel(x, edge_index, rbf, W1, b1, Wf1, bf1, Wf2, bf2, W2, b2, W3, b3):
    h = _atomwise1(x, W1, b1)
    w = _filter_net(rbf, Wf1, bf1, Wf2, bf2)
    zeros = jnp.zeros((ROWS_PER_TILE, H), jnp.float32)
    partials = _cfconv_scatter(h, edge_index[0], edge_index[1], w, zeros)
    return _tail(partials, x, W2, b2, W3, b3)

# --- scband reference (transcript-rebuilt; emitter-appended) ---
"""Pipeline reference for scband-interaction-5506148073800 (READ-ONLY COPY).

The authoritative reference and input builder live on the scoring server;
editing this copy changes nothing except your own understanding.
"""

import jax, jax.numpy as jnp
import numpy as np

N = 10000
E = 320000
H = 128
R = 128


def ssp(v):
    # ShiftedSoftplus: softplus(x) - log(2)
    return jax.nn.softplus(v) - jnp.log(2.0)


def setup_inputs(seed: int = 0) -> dict:
    key = jax.random.key(seed)
    ks = jax.random.split(key, 16)
    x = jax.random.normal(ks[0], (N, H), dtype=jnp.float32)
    edge_index = jax.random.randint(ks[1], (2, E), 0, N, dtype=jnp.int32)
    rbf = jax.random.uniform(ks[2], (E, R), dtype=jnp.float32)
    s_h = 1.0 / np.sqrt(H)
    s_r = 1.0 / np.sqrt(R)
    # atom_wise1
    W1 = jax.random.normal(ks[3], (H, H), dtype=jnp.float32) * s_h
    b1 = jnp.zeros((H,), dtype=jnp.float32)
    # CFConv filter network: Linear(R->H) -> ssp -> Linear(H->H)
    Wf1 = jax.random.normal(ks[4], (R, H), dtype=jnp.float32) * s_r
    bf1 = jnp.zeros((H,), dtype=jnp.float32)
    Wf2 = jax.random.normal(ks[5], (H, H), dtype=jnp.float32) * s_h
    bf2 = jnp.zeros((H,), dtype=jnp.float32)
    # atom_wise2
    W2 = jax.random.normal(ks[6], (H, H), dtype=jnp.float32) * s_h
    b2 = jnp.zeros((H,), dtype=jnp.float32)
    # atom_wise3
    W3 = jax.random.normal(ks[7], (H, H), dtype=jnp.float32) * s_h
    b3 = jnp.zeros((H,), dtype=jnp.float32)
    return {"x": x, "edge_index": edge_index, "rbf": rbf,
            "W1": W1, "b1": b1, "Wf1": Wf1, "bf1": bf1,
            "Wf2": Wf2, "bf2": bf2, "W2": W2, "b2": b2,
            "W3": W3, "b3": b3}


def reference(x, edge_index, rbf, W1, b1, Wf1, bf1, Wf2, bf2, W2, b2, W3, b3):
    residual = x
    # atom_wise1
    h = x @ W1 + b1
    # CFConv: filter-generating network on rbf edge features
    w = ssp(rbf @ Wf1 + bf1)
    w = w @ Wf2 + bf2
    src = edge_index[0]
    dst = edge_index[1]
    msg = jnp.take(h, src, axis=0) * w  # gather + elementwise filter
    h = jax.ops.segment_sum(msg, dst, num_segments=N)  # scatter-add aggregate
    # atom_wise2 -> ssp -> atom_wise3
    h = h @ W2 + b2
    h = ssp(h)
    h = h @ W3 + b3
    return h + residual

if __name__ == "__main__":
    import jax
    _d = setup_inputs()
    print(jax.jit(kernel)(*tuple(_d.values())))

</pallas_src>

<mosaic_0001>
#map = affine_map<(d0, d1) -> (0, 0)>
#map1 = affine_map<(d0, d1) -> (0)>
#map2 = affine_map<(d0, d1) -> (0, 0, 0)>
module attributes {stable_mosaic.version = 14 : i64} {
  func.func @_sc_body(%arg0: i32, %arg1: i32, %arg2: memref<10000x128xf32, #tpu.memory_space<hbm>>, %arg3: memref<320000xi32, #tpu.memory_space<hbm>>, %arg4: memref<320000xi32, #tpu.memory_space<hbm>>, %arg5: memref<320000x128xf32, #tpu.memory_space<hbm>>, %arg6: memref<640x128xf32, #tpu.memory_space<hbm>>, %arg7: memref<2x10240x128xf32, #tpu.memory_space<hbm>>, %arg8: memref<10048xi32, #tpu.memory_space<vmem>>, %arg9: memref<64xi32, #tpu.memory_space<vmem>>, %arg10: memref<64xi32, #tpu.memory_space<vmem>>, %arg11: memref<64x128xf32, #tpu.memory_space<vmem>>, %arg12: memref<64x128xf32, #tpu.memory_space<vmem>>, %arg13: memref<64x128xf32, #tpu.memory_space<vmem>>, %arg14: memref<64x128xf32, #tpu.memory_space<vmem>>, %arg15: memref<10240x128xf32, #tpu.memory_space<vmem_shared>>, %arg16: memref<!tpu.dma_semaphore, #tpu.memory_space<semaphore_mem>>, %arg17: memref<!tpu.dma_semaphore, #tpu.memory_space<semaphore_mem>>, %arg18: memref<!tpu.dma_semaphore, #tpu.memory_space<semaphore_mem>>, %arg19: memref<!tpu.dma_semaphore, #tpu.memory_space<semaphore_mem>>, %arg20: memref<!tpu.dma_semaphore, #tpu.memory_space<semaphore_mem>>, %arg21: memref<!tpu.dma_semaphore, #tpu.memory_space<semaphore_mem>>) attributes {dimension_semantics = [#tpu.dimension_semantics<core_parallel>, #tpu.dimension_semantics<subcore_parallel>], iteration_bounds = array<i64: 2, 16>, scalar_prefetch = 0 : i64, scratch_operands = 14 : i64, tpu.core_type = #tpu.core_type<sc_vector_subcore>, window_params = [{transform_indices = #map}, {transform_indices = #map1}, {transform_indices = #map1}, {transform_indices = #map}, {transform_indices = #map}, {transform_indices = #map2}]} {
    %mul3A = arith.constant 16 : i32
    %mul3A_0 = arith.muli %arg0, %mul3A : i32
    %add3A = arith.addi %mul3A_0, %arg1 : i32
    %mul3A_1 = arith.constant 5000 : i32
    %mul3A_2 = arith.muli %mul3A_1, %add3A : i32
    %jit3A = arith.constant 32 : i32
    %div3A = arith.divsi %mul3A_2, %jit3A : i32
    %sign3A = arith.constant 0 : i32
    %sign3A_3 = arith.cmpi sgt, %mul3A_2, %sign3A : i32
    %sign3A_4 = arith.extui %sign3A_3 : i1 to i32
    %sign3A_5 = arith.constant 0 : i32
    %sign3A_6 = arith.cmpi slt, %mul3A_2, %sign3A_5 : i32
    %sign3A_7 = arith.extui %sign3A_6 : i1 to i32
    %sign3A_8 = arith.subi %sign3A_4, %sign3A_7 : i32
    %sign3A_9 = arith.constant 0 : i32
    %sign3A_10 = arith.cmpi sgt, %jit3A, %sign3A_9 : i32
    %sign3A_11 = arith.extui %sign3A_10 : i1 to i32
    %sign3A_12 = arith.constant 0 : i32
    %sign3A_13 = arith.cmpi slt, %jit3A, %sign3A_12 : i32
    %sign3A_14 = arith.extui %sign3A_13 : i1 to i32
    %sign3A_15 = arith.subi %sign3A_11, %sign3A_14 : i32
    %ne3A = arith.cmpi ne, %sign3A_8, %sign3A_15 : i32
    %rem3A = arith.remsi %mul3A_2, %jit3A : i32
    %ne3A_16 = arith.constant 0 : i32
    %ne3A_17 = arith.cmpi ne, %rem3A, %ne3A_16 : i32
    %and3A = arith.andi %ne3A, %ne3A_17 : i1
    %sub3A = arith.constant 1 : i32
    %sub3A_18 = arith.subi %div3A, %sub3A : i32
    %select_n3A = arith.select %and3A, %sub3A_18, %div3A : i32
    %add3A_19 = arith.constant 1 : i32
    %add3A_20 = arith.addi %add3A, %add3A_19 : i32
    %mul3A_21 = arith.constant 5000 : i32
    %mul3A_22 = arith.muli %mul3A_21, %add3A_20 : i32
    %jit3A_23 = arith.constant 32 : i32
    %div3A_24 = arith.divsi %mul3A_22, %jit3A_23 : i32
    %sign3A_25 = arith.constant 0 : i32
    %sign3A_26 = arith.cmpi sgt, %mul3A_22, %sign3A_25 : i32
    %sign3A_27 = arith.extui %sign3A_26 : i1 to i32
    %sign3A_28 = arith.constant 0 : i32
    %sign3A_29 = arith.cmpi slt, %mul3A_22, %sign3A_28 : i32
    %sign3A_30 = arith.extui %sign3A_29 : i1 to i32
    %sign3A_31 = arith.subi %sign3A_27, %sign3A_30 : i32
    %sign3A_32 = arith.constant 0 : i32
    %sign3A_33 = arith.cmpi sgt, %jit3A_23, %sign3A_32 : i32
    %sign3A_34 = arith.extui %sign3A_33 : i1 to i32
    %sign3A_35 = arith.constant 0 : i32
    %sign3A_36 = arith.cmpi slt, %jit3A_23, %sign3A_35 : i32
    %sign3A_37 = arith.extui %sign3A_36 : i1 to i32
    %sign3A_38 = arith.subi %sign3A_34, %sign3A_37 : i32
    %ne3A_39 = arith.cmpi ne, %sign3A_31, %sign3A_38 : i32
    %rem3A_40 = arith.remsi %mul3A_22, %jit3A_23 : i32
    %ne3A_41 = arith.constant 0 : i32
    %ne3A_42 = arith.cmpi ne, %rem3A_40, %ne3A_41 : i32
    %and3A_43 = arith.andi %ne3A_39, %ne3A_42 : i1
    %sub3A_44 = arith.constant 1 : i32
    %sub3A_45 = arith.subi %div3A_24, %sub3A_44 : i32
    %select_n3A_46 = arith.select %and3A_43, %sub3A_45, %div3A_24 : i32
    %sub3A_47 = arith.subi %select_n3A_46, %select_n3A : i32
    %mul3A_48 = arith.constant 640 : i32
    %mul3A_49 = arith.muli %arg1, %mul3A_48 : i32
    "tpu.region"() ({
      %run_scoped3A = tpu.sem_alloc : memref<!tpu.dma_semaphore, #tpu.memory_space<semaphore_mem>>
      %dma_start3A_80 = arith.constant 0 : i32
      %dma_start3A_81 = tpu.memref_slice %arg15[%mul3A_49, %dma_start3A_80] : memref<10240x128xf32, #tpu.memory_space<vmem_shared>> -> memref<640x128xf32, #tpu.memory_space<vmem_shared>>
      tpu.enqueue_dma source(%arg6 : memref<640x128xf32, #tpu.memory_space<hbm>>) target(%dma_start3A_81 : memref<640x128xf32, #tpu.memory_space<vmem_shared>>) target_semaphore(%run_scoped3A : memref<!tpu.dma_semaphore, #tpu.memory_space<semaphore_mem>>)
      %dma_wait3A = arith.constant 0 : i32
      %dma_wait3A_82 = tpu.memref_slice %arg15[%mul3A_49, %dma_wait3A] : memref<10240x128xf32, #tpu.memory_space<vmem_shared>> -> memref<640x128xf32, #tpu.memory_space<vmem_shared>>
      tpu.wait_dma2 semaphore(%run_scoped3A : memref<!tpu.dma_semaphore, #tpu.memory_space<semaphore_mem>>) src(%arg6 : memref<640x128xf32, #tpu.memory_space<hbm>>) dst(%dma_wait3A_82 : memref<640x128xf32, #tpu.memory_space<vmem_shared>>)
      tpu.yield
    }) : () -> ()
    %mul3A_50 = arith.constant 64 : i32
    %mul3A_51 = arith.muli %select_n3A, %mul3A_50 : i32
    "tpu.region"() ({
      %run_scoped3A = tpu.sem_alloc : memref<!tpu.dma_semaphore, #tpu.memory_space<semaphore_mem>>
      %dma_start3A_80 = tpu.memref_slice %arg3[%mul3A_51] : memref<320000xi32, #tpu.memory_space<hbm>> -> memref<10048xi32, #tpu.memory_space<hbm>>
      %dma_start3A_81 = tpu.memref_slice %arg3[%mul3A_51] : memref<320000xi32, #tpu.memory_space<hbm>> -> memref<10048xi32, #tpu.memory_space<hbm>>
      tpu.enqueue_dma source(%dma_start3A_81 : memref<10048xi32, #tpu.memory_space<hbm>>) target(%arg8 : memref<10048xi32, #tpu.memory_space<vmem>>) target_semaphore(%run_scoped3A : memref<!tpu.dma_semaphore, #tpu.memory_space<semaphore_mem>>)
      %dma_wait3A = tpu.memref_slice %arg3[%mul3A_51] : memref<320000xi32, #tpu.memory_space<hbm>> -> memref<10048xi32, #tpu.memory_space<hbm>>
      %dma_wait3A_82 = tpu.memref_slice %arg3[%mul3A_51] : memref<320000xi32, #tpu.memory_space<hbm>> -> memref<10048xi32, #tpu.memory_space<hbm>>
      tpu.wait_dma2 semaphore(%run_scoped3A : memref<!tpu.dma_semaphore, #tpu.memory_space<semaphore_mem>>) src(%dma_wait3A_82 : memref<10048xi32, #tpu.memory_space<hbm>>) dst(%arg8 : memref<10048xi32, #tpu.memory_space<vmem>>)
      tpu.yield
    }) : () -> ()
    %barrier3A = arith.constant 0 : index
    tpu.barrier barrier_id(%barrier3A)
    %add3A_52 = arith.constant 0 : i32
    %add3A_53 = arith.addi %select_n3A, %add3A_52 : i32
    %mul3A_54 = arith.constant 64 : i32
    %mul3A_55 = arith.muli %add3A_53, %mul3A_54 : i32
    %dma_start3A = tpu.memref_slice %arg4[%mul3A_55] : memref<320000xi32, #tpu.memory_space<hbm>> -> memref<64xi32, #tpu.memory_space<hbm>>
    %dma_start3A_56 = tpu.memref_slice %arg4[%mul3A_55] : memref<320000xi32, #tpu.memory_space<hbm>> -> memref<64xi32, #tpu.memory_space<hbm>>
    tpu.enqueue_dma source(%dma_start3A_56 : memref<64xi32, #tpu.memory_space<hbm>>) target(%arg9 : memref<64xi32, #tpu.memory_space<vmem>>) target_semaphore(%arg16 : memref<!tpu.dma_semaphore, #tpu.memory_space<semaphore_mem>>)
    %add3A_57 = arith.constant 0 : i32
    %add3A_58 = arith.addi %select_n3A, %add3A_57 : i32
    %mul3A_59 = arith.constant 64 : i32
    %mul3A_60 = arith.muli %add3A_58, %mul3A_59 : i32
    %dma_start3A_61 = arith.constant 0 : i32
    %dma_start3A_62 = tpu.memref_slice %arg5[%mul3A_60, %dma_start3A_61] : memref<320000x128xf32, #tpu.memory_space<hbm>> -> memref<64x128xf32, #tpu.memory_space<hbm>>
    %dma_start3A_63 = arith.constant 0 : i32
    %dma_start3A_64 = tpu.memref_slice %arg5[%mul3A_60, %dma_start3A_63] : memref<320000x128xf32, #tpu.memory_space<hbm>> -> memref<64x128xf32, #tpu.memory_space<hbm>>
    tpu.enqueue_dma source(%dma_start3A_64 : memref<64x128xf32, #tpu.memory_space<hbm>>) target(%arg13 : memref<64x128xf32, #tpu.memory_space<vmem>>) target_semaphore(%arg20 : memref<!tpu.dma_semaphore, #tpu.memory_space<semaphore_mem>>)
    %dma_start3A_65 = arith.constant 0 : i32
    %dma_start3A_66 = tpu.memref_slice %arg8[%dma_start3A_65] : memref<10048xi32, #tpu.memory_space<vmem>> -> memref<64xi32, #tpu.memory_space<vmem>>
    %dma_start3A_67 = arith.constant 0 : i32
    %dma_start3A_68 = arith.constant 0 : i32
    %dma_start3A_69 = tpu.memref_slice %arg2[%dma_start3A_67, %dma_start3A_68] : memref<10000x128xf32, #tpu.memory_space<hbm>> -> memref<10000x128xf32, #tpu.memory_space<hbm>>
    tpu.enqueue_indirect_dma source(%dma_start3A_69 : memref<10000x128xf32, #tpu.memory_space<hbm>>) target(%arg11 : memref<64x128xf32, #tpu.memory_space<vmem>>) offsets(%dma_start3A_66 : memref<64xi32, #tpu.memory_space<vmem>>) semaphore(%arg18 : memref<!tpu.dma_semaphore, #tpu.memory_space<semaphore_mem>>)
    %scan3A = arith.constant 0 : i32
    %scan3A_70 = arith.constant 0 : i32
    %scan3A_71 = arith.constant 79 : i32
    %scan3A_72 = arith.addi %scan3A_70, %scan3A_71 : i32
    %scan3A_73 = arith.constant 1 : i32
    scf.for %scan3A_80 = %scan3A_70 to %scan3A_72 step %scan3A_73  : i32 {
      %mul3A_81 = arith.constant 2 : i32
      %mul3A_82 = arith.muli %scan3A_80, %mul3A_81 : i32
      %add3A_83 = arith.constant 0 : i32
      %add3A_84 = arith.addi %mul3A_82, %add3A_83 : i32
      %add3A_85 = arith.constant 1 : i32
      %add3A_86 = arith.addi %add3A_84, %add3A_85 : i32
      %lt3A = arith.cmpi slt, %add3A_86, %sub3A_47 : i32
      %convert_element_type3A = arith.extui %lt3A : i1 to i32
      %cond3A = arith.constant 0 : i32
      %cond3A_87 = arith.cmpi ne, %convert_element_type3A, %cond3A : i32
      scf.if %cond3A_87 {
        %add3A_106 = arith.constant 1 : i32
        %add3A_107 = arith.addi %add3A_84, %add3A_106 : i32
        %add3A_108 = arith.addi %select_n3A, %add3A_107 : i32
        %mul3A_109 = arith.constant 64 : i32
        %mul3A_110 = arith.muli %add3A_108, %mul3A_109 : i32
        %dma_start3A_111 = tpu.memref_slice %arg4[%mul3A_110] : memref<320000xi32, #tpu.memory_space<hbm>> -> memref<64xi32, #tpu.memory_space<hbm>>
        %dma_start3A_112 = tpu.memref_slice %arg4[%mul3A_110] : memref<320000xi32, #tpu.memory_space<hbm>> -> memref<64xi32, #tpu.memory_space<hbm>>
        tpu.enqueue_dma source(%dma_start3A_112 : memref<64xi32, #tpu.memory_space<hbm>>) target(%arg10 : memref<64xi32, #tpu.memory_space<vmem>>) target_semaphore(%arg17 : memref<!tpu.dma_semaphore, #tpu.memory_space<semaphore_mem>>)
        %add3A_113 = arith.addi %select_n3A, %add3A_107 : i32
        %mul3A_114 = arith.constant 64 : i32
        %mul3A_115 = arith.muli %add3A_113, %mul3A_114 : i32
        %dma_start3A_116 = arith.constant 0 : i32
        %dma_start3A_117 = tpu.memref_slice %arg5[%mul3A_115, %dma_start3A_116] : memref<320000x128xf32, #tpu.memory_space<hbm>> -> memref<64x128xf32, #tpu.memory_space<hbm>>
        %dma_start3A_118 = arith.constant 0 : i32
        %dma_start3A_119 = tpu.memref_slice %arg5[%mul3A_115, %dma_start3A_118] : memref<320000x128xf32, #tpu.memory_space<hbm>> -> memref<64x128xf32, #tpu.memory_space<hbm>>
        tpu.enqueue_dma source(%dma_start3A_119 : memref<64x128xf32, #tpu.memory_space<hbm>>) target(%arg14 : memref<64x128xf32, #tpu.memory_space<vmem>>) target_semaphore(%arg21 : memref<!tpu.dma_semaphore, #tpu.memory_space<semaphore_mem>>)
        %mul3A_120 = arith.constant 64 : i32
        %mul3A_121 = arith.muli %add3A_107, %mul3A_120 : i32
        %dma_start3A_122 = tpu.memref_slice %arg8[%mul3A_121] : memref<10048xi32, #tpu.memory_space<vmem>> -> memref<64xi32, #tpu.memory_space<vmem>>
        %dma_start3A_123 = arith.constant 0 : i32
        %dma_start3A_124 = arith.constant 0 : i32
        %dma_start3A_125 = tpu.memref_slice %arg2[%dma_start3A_123, %dma_start3A_124] : memref<10000x128xf32, #tpu.memory_space<hbm>> -> memref<10000x128xf32, #tpu.memory_space<hbm>>
        tpu.enqueue_indirect_dma source(%dma_start3A_125 : memref<10000x128xf32, #tpu.memory_space<hbm>>) target(%arg12 : memref<64x128xf32, #tpu.memory_space<vmem>>) offsets(%dma_start3A_122 : memref<64xi32, #tpu.memory_space<vmem>>) semaphore(%arg19 : memref<!tpu.dma_semaphore, #tpu.memory_space<semaphore_mem>>)
      } else {
      }
      %lt3A_88 = arith.cmpi slt, %add3A_84, %sub3A_47 : i32
      %convert_element_type3A_89 = arith.extui %lt3A_88 : i1 to i32
      %cond3A_90 = arith.constant 0 : i32
      %cond3A_91 = arith.cmpi ne, %convert_element_type3A_89, %cond3A_90 : i32
      scf.if %cond3A_91 {
        %add3A_106 = arith.addi %select_n3A, %add3A_84 : i32
        %mul3A_107 = arith.constant 64 : i32
        %mul3A_108 = arith.muli %add3A_106, %mul3A_107 : i32
        %dma_wait3A = tpu.memref_slice %arg4[%mul3A_108] : memref<320000xi32, #tpu.memory_space<hbm>> -> memref<64xi32, #tpu.memory_space<hbm>>
        %dma_wait3A_109 = tpu.memref_slice %arg4[%mul3A_108] : memref<320000xi32, #tpu.memory_space<hbm>> -> memref<64xi32, #tpu.memory_space<hbm>>
        tpu.wait_dma2 semaphore(%arg16 : memref<!tpu.dma_semaphore, #tpu.memory_space<semaphore_mem>>) src(%dma_wait3A_109 : memref<64xi32, #tpu.memory_space<hbm>>) dst(%arg9 : memref<64xi32, #tpu.memory_space<vmem>>)
        %add3A_110 = arith.addi %select_n3A, %add3A_84 : i32
        %mul3A_111 = arith.constant 64 : i32
        %mul3A_112 = arith.muli %add3A_110, %mul3A_111 : i32
        %dma_wait3A_113 = arith.constant 0 : i32
        %dma_wait3A_114 = tpu.memref_slice %arg5[%mul3A_112, %dma_wait3A_113] : memref<320000x128xf32, #tpu.memory_space<hbm>> -> memref<64x128xf32, #tpu.memory_space<hbm>>
        %dma_wait3A_115 = arith.constant 0 : i32
        %dma_wait3A_116 = tpu.memref_slice %arg5[%mul3A_112, %dma_wait3A_115] : memref<320000x128xf32, #tpu.memory_space<hbm>> -> memref<64x128xf32, #tpu.memory_space<hbm>>
        tpu.wait_dma2 semaphore(%arg20 : memref<!tpu.dma_semaphore, #tpu.memory_space<semaphore_mem>>) src(%dma_wait3A_116 : memref<64x128xf32, #tpu.memory_space<hbm>>) dst(%arg13 : memref<64x128xf32, #tpu.memory_space<vmem>>)
        %mul3A_117 = arith.constant 64 : i32
        %mul3A_118 = arith.muli %add3A_84, %mul3A_117 : i32
        %dma_wait3A_119 = tpu.memref_slice %arg8[%mul3A_118] : memref<10048xi32, #tpu.memory_space<vmem>> -> memref<64xi32, #tpu.memory_space<vmem>>
        %dma_wait3A_120 = arith.constant 0 : i32
        %dma_wait3A_121 = arith.constant 0 : i32
        %dma_wait3A_122 = tpu.memref_slice %arg2[%dma_wait3A_120, %dma_wait3A_121] : memref<10000x128xf32, #tpu.memory_space<hbm>> -> memref<10000x128xf32, #tpu.memory_space<hbm>>
        tpu.wait_indirect_dma semaphore(%arg18 : memref<!tpu.dma_semaphore, #tpu.memory_space<semaphore_mem>>) src(%dma_wait3A_122 : memref<10000x128xf32, #tpu.memory_space<hbm>>) dst(%arg11 : memref<64x128xf32, #tpu.memory_space<vmem>>)
        %scan3A_123 = arith.constant 0 : i32
        %scan3A_124 = arith.constant 0 : i32
        %scan3A_125 = arith.constant 64 : i32
        %scan3A_126 = arith.addi %scan3A_124, %scan3A_125 : i32
        %scan3A_127 = arith.constant 1 : i32
        scf.for %scan3A_129 = %scan3A_124 to %scan3A_126 step %scan3A_127  : i32 {
          %get3A = arith.index_cast %scan3A_129 : i32 to index
          %get3A_130 = arith.constant 0 : index
          %get3A_131 = tpu.vector_load %arg11[%get3A, %get3A_130] {strides = array<i32>} : memref<64x128xf32, #tpu.memory_space<vmem>>, vector<1x16xf32>,
          %get3A_132 = vector.shape_cast %get3A_131 : vector<1x16xf32> to vector<16xf32>
          %get3A_133 = arith.index_cast %scan3A_129 : i32 to index
          %get3A_134 = arith.constant 0 : index
          %get3A_135 = tpu.vector_load %arg13[%get3A_133, %get3A_134] {strides = array<i32>} : memref<64x128xf32, #tpu.memory_space<vmem>>, vector<1x16xf32>,
          %get3A_136 = vector.shape_cast %get3A_135 : vector<1x16xf32> to vector<16xf32>
          %mul3A_137 = arith.mulf %get3A_132, %get3A_136 : vector<16xf32>
          %swap3A = arith.index_cast %scan3A_129 : i32 to index
          %swap3A_138 = arith.constant 0 : index
          %swap3A_139 = tpu.vector_load %arg11[%swap3A, %swap3A_138] {strides = array<i32>} : memref<64x128xf32, #tpu.memory_space<vmem>>, vector<1x16xf32>,
          %swap3A_140 = vector.shape_cast %swap3A_139 : vector<1x16xf32> to vector<16xf32>
          %swap3A_141 = vector.shape_cast %mul3A_137 : vector<16xf32> to vector<1x16xf32>
          tpu.vector_store %arg11[%swap3A, %swap3A_138], %swap3A_141 {strides = array<i32>} : memref<64x128xf32, #tpu.memory_space<vmem>>, vector<1x16xf32>,
          %get3A_142 = arith.index_cast %scan3A_129 : i32 to index
          %get3A_143 = arith.constant 16 : index
          %get3A_144 = tpu.vector_load %arg11[%get3A_142, %get3A_143] {strides = array<i32>} : memref<64x128xf32, #tpu.memory_space<vmem>>, vector<1x16xf32>,
          %get3A_145 = vector.shape_cast %get3A_144 : vector<1x16xf32> to vector<16xf32>
          %get3A_146 = arith.index_cast %scan3A_129 : i32 to index
          %get3A_147 = arith.constant 16 : index
          %get3A_148 = tpu.vector_load %arg13[%get3A_146, %get3A_147] {strides = array<i32>} : memref<64x128xf32, #tpu.memory_space<vmem>>, vector<1x16xf32>,
          %get3A_149 = vector.shape_cast %get3A_148 : vector<1x16xf32> to vector<16xf32>
          %mul3A_150 = arith.mulf %get3A_145, %get3A_149 : vector<16xf32>
          %swap3A_151 = arith.index_cast %scan3A_129 : i32 to index
          %swap3A_152 = arith.constant 16 : index
          %swap3A_153 = tpu.vector_load %arg11[%swap3A_151, %swap3A_152] {strides = array<i32>} : memref<64x128xf32, #tpu.memory_space<vmem>>, vector<1x16xf32>,
          %swap3A_154 = vector.shape_cast %swap3A_153 : vector<1x16xf32> to vector<16xf32>
          %swap3A_155 = vector.shape_cast %mul3A_150 : vector<16xf32> to vector<1x16xf32>
          tpu.vector_store %arg11[%swap3A_151, %swap3A_152], %swap3A_155 {strides = array<i32>} : memref<64x128xf32, #tpu.memory_space<vmem>>, vector<1x16xf32>,
          %get3A_156 = arith.index_cast %scan3A_129 : i32 to index
          %get3A_157 = arith.constant 32 : index
          %get3A_158 = tpu.vector_load %arg11[%get3A_156, %get3A_157] {strides = array<i32>} : memref<64x128xf32, #tpu.memory_space<vmem>>, vector<1x16xf32>,
          %get3A_159 = vector.shape_cast %get3A_158 : vector<1x16xf32> to vector<16xf32>
          %get3A_160 = arith.index_cast %scan3A_129 : i32 to index
          %get3A_161 = arith.constant 32 : index
          %get3A_162 = tpu.vector_load %arg13[%get3A_160, %get3A_161] {strides = array<i32>} : memref<64x128xf32, #tpu.memory_space<vmem>>, vector<1x16xf32>,
          %get3A_163 = vector.shape_cast %get3A_162 : vector<1x16xf32> to vector<16xf32>
          %mul3A_164 = arith.mulf %get3A_159, %get3A_163 : vector<16xf32>
          %swap3A_165 = arith.index_cast %scan3A_129 : i32 to index
          %swap3A_166 = arith.constant 32 : index
          %swap3A_167 = tpu.vector_load %arg11[%swap3A_165, %swap3A_166] {strides = array<i32>} : memref<64x128xf32, #tpu.memory_space<vmem>>, vector<1x16xf32>,
          %swap3A_168 = vector.shape_cast %swap3A_167 : vector<1x16xf32> to vector<16xf32>
          %swap3A_169 = vector.shape_cast %mul3A_164 : vector<16xf32> to vector<1x16xf32>
          tpu.vector_store %arg11[%swap3A_165, %swap3A_166], %swap3A_169 {strides = array<i32>} : memref<64x128xf32, #tpu.memory_space<vmem>>, vector<1x16xf32>,
          %get3A_170 = arith.index_cast %scan3A_129 : i32 to index
          %get3A_171 = arith.constant 48 : index
          %get3A_172 = tpu.vector_load %arg11[%get3A_170, %get3A_171] {strides = array<i32>} : memref<64x128xf32, #tpu.memory_space<vmem>>, vector<1x16xf32>,
          %get3A_173 = vector.shape_cast %get3A_172 : vector<1x16xf32> to vector<16xf32>
          %get3A_174 = arith.index_cast %scan3A_129 : i32 to index
          %get3A_175 = arith.constant 48 : index
          %get3A_176 = tpu.vector_load %arg13[%get3A_174, %get3A_175] {strides = array<i32>} : memref<64x128xf32, #tpu.memory_space<vmem>>, vector<1x16xf32>,
          %get3A_177 = vector.shape_cast %get3A_176 : vector<1x16xf32> to vector<16xf32>
          %mul3A_178 = arith.mulf %get3A_173, %get3A_177 : vector<16xf32>
          %swap3A_179 = arith.index_cast %scan3A_129 : i32 to index
          %swap3A_180 = arith.constant 48 : index
          %swap3A_181 = tpu.vector_load %arg11[%swap3A_179, %swap3A_180] {strides = array<i32>} : memref<64x128xf32, #tpu.memory_space<vmem>>, vector<1x16xf32>,
          %swap3A_182 = vector.shape_cast %swap3A_181 : vector<1x16xf32> to vector<16xf32>
          %swap3A_183 = vector.shape_cast %mul3A_178 : vector<16xf32> to vector<1x16xf32>
          tpu.vector_store %arg11[%swap3A_179, %swap3A_180], %swap3A_183 {strides = array<i32>} : memref<64x128xf32, #tpu.memory_space<vmem>>, vector<1x16xf32>,
          %get3A_184 = arith.index_cast %scan3A_129 : i32 to index
          %get3A_185 = arith.constant 64 : index
          %get3A_186 = tpu.vector_load %arg11[%get3A_184, %get3A_185] {strides = array<i32>} : memref<64x128xf32, #tpu.memory_space<vmem>>, vector<1x16xf32>,
          %get3A_187 = vector.shape_cast %get3A_186 : vector<1x16xf32> to vector<16xf32>
          %get3A_188 = arith.index_cast %scan3A_129 : i32 to index
          %get3A_189 = arith.constant 64 : index
          %get3A_190 = tpu.vector_load %arg13[%get3A_188, %get3A_189] {strides = array<i32>} : memref<64x128xf32, #tpu.memory_space<vmem>>, vector<1x16xf32>,
          %get3A_191 = vector.shape_cast %get3A_190 : vector<1x16xf32> to vector<16xf32>
          %mul3A_192 = arith.mulf %get3A_187, %get3A_191 : vector<16xf32>
          %swap3A_193 = arith.index_cast %scan3A_129 : i32 to index
          %swap3A_194 = arith.constant 64 : index
          %swap3A_195 = tpu.vector_load %arg11[%swap3A_193, %swap3A_194] {strides = array<i32>} : memref<64x128xf32, #tpu.memory_space<vmem>>, vector<1x16xf32>,
          %swap3A_196 = vector.shape_cast %swap3A_195 : vector<1x16xf32> to vector<16xf32>
          %swap3A_197 = vector.shape_cast %mul3A_192 : vector<16xf32> to vector<1x16xf32>
          tpu.vector_store %arg11[%swap3A_193, %swap3A_194], %swap3A_197 {strides = array<i32>} : memref<64x128xf32, #tpu.memory_space<vmem>>, vector<1x16xf32>,
          %get3A_198 = arith.index_cast %scan3A_129 : i32 to index
          %get3A_199 = arith.constant 80 : index
          %get3A_200 = tpu.vector_load %arg11[%get3A_198, %get3A_199] {strides = array<i32>} : memref<64x128xf32, #tpu.memory_space<vmem>>, vector<1x16xf32>,
          %get3A_201 = vector.shape_cast %get3A_200 : vector<1x16xf32> to vector<16xf32>
          %get3A_202 = arith.index_cast %scan3A_129 : i32 to index
          %get3A_203 = arith.constant 80 : index
          %get3A_204 = tpu.vector_load %arg13[%get3A_202, %get3A_203] {strides = array<i32>} : memref<64x128xf32, #tpu.memory_space<vmem>>, vector<1x16xf32>,
          %get3A_205 = vector.shape_cast %get3A_204 : vector<1x16xf32> to vector<16xf32>
          %mul3A_206 = arith.mulf %get3A_201, %get3A_205 : vector<16xf32>
          %swap3A_207 = arith.index_cast %scan3A_129 : i32 to index
          %swap3A_208 = arith.constant 80 : index
          %swap3A_209 = tpu.vector_load %arg11[%swap3A_207, %swap3A_208] {strides = array<i32>} : memref<64x128xf32, #tpu.memory_space<vmem>>, vector<1x16xf32>,
          %swap3A_210 = vector.shape_cast %swap3A_209 : vector<1x16xf32> to vector<16xf32>
          %swap3A_211 = vector.shape_cast %mul3A_206 : vector<16xf32> to vector<1x16xf32>
          tpu.vector_store %arg11[%swap3A_207, %swap3A_208], %swap3A_211 {strides = array<i32>} : memref<64x128xf32, #tpu.memory_space<vmem>>, vector<1x16xf32>,
          %get3A_212 = arith.index_cast %scan3A_129 : i32 to index
          %get3A_213 = arith.constant 96 : index
          %get3A_214 = tpu.vector_load %arg11[%get3A_212, %get3A_213] {strides = array<i32>} : memref<64x128xf32, #tpu.memory_space<vmem>>, vector<1x16xf32>,
          %get3A_215 = vector.shape_cast %get3A_214 : vector<1x16xf32> to vector<16xf32>
          %get3A_216 = arith.index_cast %scan3A_129 : i32 to index
          %get3A_217 = arith.constant 96 : index
          %get3A_218 = tpu.vector_load %arg13[%get3A_216, %get3A_217] {strides = array<i32>} : memref<64x128xf32, #tpu.memory_space<vmem>>, vector<1x16xf32>,
          %get3A_219 = vector.shape_cast %get3A_218 : vector<1x16xf32> to vector<16xf32>
          %mul3A_220 = arith.mulf %get3A_215, %get3A_219 : vector<16xf32>
          %swap3A_221 = arith.index_cast %scan3A_129 : i32 to index
          %swap3A_222 = arith.constant 96 : index
          %swap3A_223 = tpu.vector_load %arg11[%swap3A_221, %swap3A_222] {strides = array<i32>} : memref<64x128xf32, #tpu.memory_space<vmem>>, vector<1x16xf32>,
          %swap3A_224 = vector.shape_cast %swap3A_223 : vector<1x16xf32> to vector<16xf32>
          %swap3A_225 = vector.shape_cast %mul3A_220 : vector<16xf32> to vector<1x16xf32>
          tpu.vector_store %arg11[%swap3A_221, %swap3A_222], %swap3A_225 {strides = array<i32>} : memref<64x128xf32, #tpu.memory_space<vmem>>, vector<1x16xf32>,
          %get3A_226 = arith.index_cast %scan3A_129 : i32 to index
          %get3A_227 = arith.constant 112 : index
          %get3A_228 = tpu.vector_load %arg11[%get3A_226, %get3A_227] {strides = array<i32>} : memref<64x128xf32, #tpu.memory_space<vmem>>, vector<1x16xf32>,
          %get3A_229 = vector.shape_cast %get3A_228 : vector<1x16xf32> to vector<16xf32>
          %get3A_230 = arith.index_cast %scan3A_129 : i32 to index
          %get3A_231 = arith.constant 112 : index
          %get3A_232 = tpu.vector_load %arg13[%get3A_230, %get3A_231] {strides = array<i32>} : memref<64x128xf32, #tpu.memory_space<vmem>>, vector<1x16xf32>,
          %get3A_233 = vector.shape_cast %get3A_232 : vector<1x16xf32> to vector<16xf32>
          %mul3A_234 = arith.mulf %get3A_229, %get3A_233 : vector<16xf32>
          %swap3A_235 = arith.index_cast %scan3A_129 : i32 to index
          %swap3A_236 = arith.constant 112 : index
          %swap3A_237 = tpu.vector_load %arg11[%swap3A_235, %swap3A_236] {strides = array<i32>} : memref<64x128xf32, #tpu.memory_space<vmem>>, vector<1x16xf32>,
          %swap3A_238 = vector.shape_cast %swap3A_237 : vector<1x16xf32> to vector<16xf32>
          %swap3A_239 = vector.shape_cast %mul3A_234 : vector<16xf32> to vector<1x16xf32>
          tpu.vector_store %arg11[%swap3A_235, %swap3A_236], %swap3A_239 {strides = array<i32>} : memref<64x128xf32, #tpu.memory_space<vmem>>, vector<1x16xf32>,
        }
        %scan3A_128 = arith.constant 64 : i32
        "tpu.region"() ({
          %run_scoped3A = tpu.sem_alloc : memref<!tpu.dma_semaphore, #tpu.memory_space<semaphore_mem>>
          %dma_start3A_129 = arith.constant 0 : i32
          %dma_start3A_130 = arith.constant 0 : i32
          %dma_start3A_131 = tpu.memref_slice %arg15[%dma_start3A_129, %dma_start3A_130] : memref<10240x128xf32, #tpu.memory_space<vmem_shared>> -> memref<10240x128xf32, #tpu.memory_space<vmem_shared>>
          tpu.enqueue_indirect_dma source(%arg11 : memref<64x128xf32, #tpu.memory_space<vmem>>) target(%dma_start3A_131 : memref<10240x128xf32, #tpu.memory_space<vmem_shared>>) offsets(%arg9 : memref<64xi32, #tpu.memory_space<vmem>>) semaphore(%run_scoped3A : memref<!tpu.dma_semaphore, #tpu.memory_space<semaphore_mem>>) {add = true}
          %dma_wait3A_132 = arith.constant 0 : i32
          %dma_wait3A_133 = arith.constant 0 : i32
          %dma_wait3A_134 = tpu.memref_slice %arg15[%dma_wait3A_132, %dma_wait3A_133] : memref<10240x128xf32, #tpu.memory_space<vmem_shared>> -> memref<10240x128xf32, #tpu.memory_space<vmem_shared>>
          tpu.wait_indirect_dma semaphore(%run_scoped3A : memref<!tpu.dma_semaphore, #tpu.memory_space<semaphore_mem>>) src(%arg11 : memref<64x128xf32, #tpu.memory_space<vmem>>) dst(%dma_wait3A_134 : memref<10240x128xf32, #tpu.memory_space<vmem_shared>>)
          tpu.yield
        }) : () -> ()
      } else {
      }
      %mul3A_92 = arith.constant 2 : i32
      %mul3A_93 = arith.muli %scan3A_80, %mul3A_92 : i32
      %add3A_94 = arith.constant 1 : i32
      %add3A_95 = arith.addi %mul3A_93, %add3A_94 : i32
      %add3A_96 = arith.constant 1 : i32
      %add3A_97 = arith.addi %add3A_95, %add3A_96 : i32
      %lt3A_98 = arith.cmpi slt, %add3A_97, %sub3A_47 : i32
      %convert_element_type3A_99 = arith.extui %lt3A_98 : i1 to i32
      %cond3A_100 = arith.constant 0 : i32
      %cond3A_101 = arith.cmpi ne, %convert_element_type3A_99, %cond3A_100 : i32
      scf.if %cond3A_101 {
        %add3A_106 = arith.constant 1 : i32
        %add3A_107 = arith.addi %add3A_95, %add3A_106 : i32
        %add3A_108 = arith.addi %select_n3A, %add3A_107 : i32
        %mul3A_109 = arith.constant 64 : i32
        %mul3A_110 = arith.muli %add3A_108, %mul3A_109 : i32
        %dma_start3A_111 = tpu.memref_slice %arg4[%mul3A_110] : memref<320000xi32, #tpu.memory_space<hbm>> -> memref<64xi32, #tpu.memory_space<hbm>>
        %dma_start3A_112 = tpu.memref_slice %arg4[%mul3A_110] : memref<320000xi32, #tpu.memory_space<hbm>> -> memref<64xi32, #tpu.memory_space<hbm>>
        tpu.enqueue_dma source(%dma_start3A_112 : memref<64xi32, #tpu.memory_space<hbm>>) target(%arg9 : memref<64xi32, #tpu.memory_space<vmem>>) target_semaphore(%arg16 : memref<!tpu.dma_semaphore, #tpu.memory_space<semaphore_mem>>)
        %add3A_113 = arith.addi %select_n3A, %add3A_107 : i32
        %mul3A_114 = arith.constant 64 : i32
        %mul3A_115 = arith.muli %add3A_113, %mul3A_114 : i32
        %dma_start3A_116 = arith.constant 0 : i32
        %dma_start3A_117 = tpu.memref_slice %arg5[%mul3A_115, %dma_start3A_116] : memref<320000x128xf32, #tpu.memory_space<hbm>> -> memref<64x128xf32, #tpu.memory_space<hbm>>
        %dma_start3A_118 = arith.constant 0 : i32
        %dma_start3A_119 = tpu.memref_slice %arg5[%mul3A_115, %dma_start3A_118] : memref<320000x128xf32, #tpu.memory_space<hbm>> -> memref<64x128xf32, #tpu.memory_space<hbm>>
        tpu.enqueue_dma source(%dma_start3A_119 : memref<64x128xf32, #tpu.memory_space<hbm>>) target(%arg13 : memref<64x128xf32, #tpu.memory_space<vmem>>) target_semaphore(%arg20 : memref<!tpu.dma_semaphore, #tpu.memory_space<semaphore_mem>>)
        %mul3A_120 = arith.constant 64 : i32
        %mul3A_121 = arith.muli %add3A_107, %mul3A_120 : i32
        %dma_start3A_122 = tpu.memref_slice %arg8[%mul3A_121] : memref<10048xi32, #tpu.memory_space<vmem>> -> memref<64xi32, #tpu.memory_space<vmem>>
        %dma_start3A_123 = arith.constant 0 : i32
        %dma_start3A_124 = arith.constant 0 : i32
        %dma_start3A_125 = tpu.memref_slice %arg2[%dma_start3A_123, %dma_start3A_124] : memref<10000x128xf32, #tpu.memory_space<hbm>> -> memref<10000x128xf32, #tpu.memory_space<hbm>>
        tpu.enqueue_indirect_dma source(%dma_start3A_125 : memref<10000x128xf32, #tpu.memory_space<hbm>>) target(%arg11 : memref<64x128xf32, #tpu.memory_space<vmem>>) offsets(%dma_start3A_122 : memref<64xi32, #tpu.memory_space<vmem>>) semaphore(%arg18 : memref<!tpu.dma_semaphore, #tpu.memory_space<semaphore_mem>>)
      } else {
      }
      %lt3A_102 = arith.cmpi slt, %add3A_95, %sub3A_47 : i32
      %convert_element_type3A_103 = arith.extui %lt3A_102 : i1 to i32
      %cond3A_104 = arith.constant 0 : i32
      %cond3A_105 = arith.cmpi ne, %convert_element_type3A_103, %cond3A_104 : i32
      scf.if %cond3A_105 {
        %add3A_106 = arith.addi %select_n3A, %add3A_95 : i32
        %mul3A_107 = arith.constant 64 : i32
        %mul3A_108 = arith.muli %add3A_106, %mul3A_107 : i32
        %dma_wait3A = tpu.memref_slice %arg4[%mul3A_108] : memref<320000xi32, #tpu.memory_space<hbm>> -> memref<64xi32, #tpu.memory_space<hbm>>
        %dma_wait3A_109 = tpu.memref_slice %arg4[%mul3A_108] : memref<320000xi32, #tpu.memory_space<hbm>> -> memref<64xi32, #tpu.memory_space<hbm>>
        tpu.wait_dma2 semaphore(%arg17 : memref<!tpu.dma_semaphore, #tpu.memory_space<semaphore_mem>>) src(%dma_wait3A_109 : memref<64xi32, #tpu.memory_space<hbm>>) dst(%arg10 : memref<64xi32, #tpu.memory_space<vmem>>)
        %add3A_110 = arith.addi %select_n3A, %add3A_95 : i32
        %mul3A_111 = arith.constant 64 : i32
        %mul3A_112 = arith.muli %add3A_110, %mul3A_111 : i32
        %dma_wait3A_113 = arith.constant 0 : i32
        %dma_wait3A_114 = tpu.memref_slice %arg5[%mul3A_112, %dma_wait3A_113] : memref<320000x128xf32, #tpu.memory_space<hbm>> -> memref<64x128xf32, #tpu.memory_space<hbm>>
        %dma_wait3A_115 = arith.constant 0 : i32
        %dma_wait3A_116 = tpu.memref_slice %arg5[%mul3A_112, %dma_wait3A_115] : memref<320000x128xf32, #tpu.memory_space<hbm>> -> memref<64x128xf32, #tpu.memory_space<hbm>>
        tpu.wait_dma2 semaphore(%arg21 : memref<!tpu.dma_semaphore, #tpu.memory_space<semaphore_mem>>) src(%dma_wait3A_116 : memref<64x128xf32, #tpu.memory_space<hbm>>) dst(%arg14 : memref<64x128xf32, #tpu.memory_space<vmem>>)
        %mul3A_117 = arith.constant 64 : i32
        %mul3A_118 = arith.muli %add3A_95, %mul3A_117 : i32
        %dma_wait3A_119 = tpu.memref_slice %arg8[%mul3A_118] : memref<10048xi32, #tpu.memory_space<vmem>> -> memref<64xi32, #tpu.memory_space<vmem>>
        %dma_wait3A_120 = arith.constant 0 : i32
        %dma_wait3A_121 = arith.constant 0 : i32
        %dma_wait3A_122 = tpu.memref_slice %arg2[%dma_wait3A_120, %dma_wait3A_121] : memref<10000x128xf32, #tpu.memory_space<hbm>> -> memref<10000x128xf32, #tpu.memory_space<hbm>>
        tpu.wait_indirect_dma semaphore(%arg19 : memref<!tpu.dma_semaphore, #tpu.memory_space<semaphore_mem>>) src(%dma_wait3A_122 : memref<10000x128xf32, #tpu.memory_space<hbm>>) dst(%arg12 : memref<64x128xf32, #tpu.memory_space<vmem>>)
        %scan3A_123 = arith.constant 0 : i32
        %scan3A_124 = arith.constant 0 : i32
        %scan3A_125 = arith.constant 64 : i32
        %scan3A_126 = arith.addi %scan3A_124, %scan3A_125 : i32
        %scan3A_127 = arith.constant 1 : i32
        scf.for %scan3A_129 = %scan3A_124 to %scan3A_126 step %scan3A_127  : i32 {
          %get3A = arith.index_cast %scan3A_129 : i32 to index
          %get3A_130 = arith.constant 0 : index
          %get3A_131 = tpu.vector_load %arg12[%get3A, %get3A_130] {strides = array<i32>} : memref<64x128xf32, #tpu.memory_space<vmem>>, vector<1x16xf32>,
          %get3A_132 = vector.shape_cast %get3A_131 : vector<1x16xf32> to vector<16xf32>
          %get3A_133 = arith.index_cast %scan3A_129 : i32 to index
          %get3A_134 = arith.constant 0 : index
          %get3A_135 = tpu.vector_load %arg14[%get3A_133, %get3A_134] {strides = array<i32>} : memref<64x128xf32, #tpu.memory_space<vmem>>, vector<1x16xf32>,
          %get3A_136 = vector.shape_cast %get3A_135 : vector<1x16xf32> to vector<16xf32>
          %mul3A_137 = arith.mulf %get3A_132, %get3A_136 : vector<16xf32>
          %swap3A = arith.index_cast %scan3A_129 : i32 to index
          %swap3A_138 = arith.constant 0 : index
          %swap3A_139 = tpu.vector_load %arg12[%swap3A, %swap3A_138] {strides = array<i32>} : memref<64x128xf32, #tpu.memory_space<vmem>>, vector<1x16xf32>,
          %swap3A_140 = vector.shape_cast %swap3A_139 : vector<1x16xf32> to vector<16xf32>
          %swap3A_141 = vector.shape_cast %mul3A_137 : vector<16xf32> to vector<1x16xf32>
          tpu.vector_store %arg12[%swap3A, %swap3A_138], %swap3A_141 {strides = array<i32>} : memref<64x128xf32, #tpu.memory_space<vmem>>, vector<1x16xf32>,
          %get3A_142 = arith.index_cast %scan3A_129 : i32 to index
          %get3A_143 = arith.constant 16 : index
          %get3A_144 = tpu.vector_load %arg12[%get3A_142, %get3A_143] {strides = array<i32>} : memref<64x128xf32, #tpu.memory_space<vmem>>, vector<1x16xf32>,
          %get3A_145 = vector.shape_cast %get3A_144 : vector<1x16xf32> to vector<16xf32>
          %get3A_146 = arith.index_cast %scan3A_129 : i32 to index
          %get3A_147 = arith.constant 16 : index
          %get3A_148 = tpu.vector_load %arg14[%get3A_146, %get3A_147] {strides = array<i32>} : memref<64x128xf32, #tpu.memory_space<vmem>>, vector<1x16xf32>,
          %get3A_149 = vector.shape_cast %get3A_148 : vector<1x16xf32> to vector<16xf32>
          %mul3A_150 = arith.mulf %get3A_145, %get3A_149 : vector<16xf32>
          %swap3A_151 = arith.index_cast %scan3A_129 : i32 to index
          %swap3A_152 = arith.constant 16 : index
          %swap3A_153 = tpu.vector_load %arg12[%swap3A_151, %swap3A_152] {strides = array<i32>} : memref<64x128xf32, #tpu.memory_space<vmem>>, vector<1x16xf32>,
          %swap3A_154 = vector.shape_cast %swap3A_153 : vector<1x16xf32> to vector<16xf32>
          %swap3A_155 = vector.shape_cast %mul3A_150 : vector<16xf32> to vector<1x16xf32>
          tpu.vector_store %arg12[%swap3A_151, %swap3A_152], %swap3A_155 {strides = array<i32>} : memref<64x128xf32, #tpu.memory_space<vmem>>, vector<1x16xf32>,
          %get3A_156 = arith.index_cast %scan3A_129 : i32 to index
          %get3A_157 = arith.constant 32 : index
          %get3A_158 = tpu.vector_load %arg12[%get3A_156, %get3A_157] {strides = array<i32>} : memref<64x128xf32, #tpu.memory_space<vmem>>, vector<1x16xf32>,
          %get3A_159 = vector.shape_cast %get3A_158 : vector<1x16xf32> to vector<16xf32>
          %get3A_160 = arith.index_cast %scan3A_129 : i32 to index
          %get3A_161 = arith.constant 32 : index
          %get3A_162 = tpu.vector_load %arg14[%get3A_160, %get3A_161] {strides = array<i32>} : memref<64x128xf32, #tpu.memory_space<vmem>>, vector<1x16xf32>,
          %get3A_163 = vector.shape_cast %get3A_162 : vector<1x16xf32> to vector<16xf32>
          %mul3A_164 = arith.mulf %get3A_159, %get3A_163 : vector<16xf32>
          %swap3A_165 = arith.index_cast %scan3A_129 : i32 to index
          %swap3A_166 = arith.constant 32 : index
          %swap3A_167 = tpu.vector_load %arg12[%swap3A_165, %swap3A_166] {strides = array<i32>} : memref<64x128xf32, #tpu.memory_space<vmem>>, vector<1x16xf32>,
          %swap3A_168 = vector.shape_cast %swap3A_167 : vector<1x16xf32> to vector<16xf32>
          %swap3A_169 = vector.shape_cast %mul3A_164 : vector<16xf32> to vector<1x16xf32>
          tpu.vector_store %arg12[%swap3A_165, %swap3A_166], %swap3A_169 {strides = array<i32>} : memref<64x128xf32, #tpu.memory_space<vmem>>, vector<1x16xf32>,
          %get3A_170 = arith.index_cast %scan3A_129 : i32 to index
          %get3A_171 = arith.constant 48 : index
          %get3A_172 = tpu.vector_load %arg12[%get3A_170, %get3A_171] {strides = array<i32>} : memref<64x128xf32, #tpu.memory_space<vmem>>, vector<1x16xf32>,
          %get3A_173 = vector.shape_cast %get3A_172 : vector<1x16xf32> to vector<16xf32>
          %get3A_174 = arith.index_cast %scan3A_129 : i32 to index
          %get3A_175 = arith.constant 48 : index
          %get3A_176 = tpu.vector_load %arg14[%get3A_174, %get3A_175] {strides = array<i32>} : memref<64x128xf32, #tpu.memory_space<vmem>>, vector<1x16xf32>,
          %get3A_177 = vector.shape_cast %get3A_176 : vector<1x16xf32> to vector<16xf32>
          %mul3A_178 = arith.mulf %get3A_173, %get3A_177 : vector<16xf32>
          %swap3A_179 = arith.index_cast %scan3A_129 : i32 to index
          %swap3A_180 = arith.constant 48 : index
          %swap3A_181 = tpu.vector_load %arg12[%swap3A_179, %swap3A_180] {strides = array<i32>} : memref<64x128xf32, #tpu.memory_space<vmem>>, vector<1x16xf32>,
          %swap3A_182 = vector.shape_cast %swap3A_181 : vector<1x16xf32> to vector<16xf32>
          %swap3A_183 = vector.shape_cast %mul3A_178 : vector<16xf32> to vector<1x16xf32>
          tpu.vector_store %arg12[%swap3A_179, %swap3A_180], %swap3A_183 {strides = array<i32>} : memref<64x128xf32, #tpu.memory_space<vmem>>, vector<1x16xf32>,
          %get3A_184 = arith.index_cast %scan3A_129 : i32 to index
          %get3A_185 = arith.constant 64 : index
          %get3A_186 = tpu.vector_load %arg12[%get3A_184, %get3A_185] {strides = array<i32>} : memref<64x128xf32, #tpu.memory_space<vmem>>, vector<1x16xf32>,
          %get3A_187 = vector.shape_cast %get3A_186 : vector<1x16xf32> to vector<16xf32>
          %get3A_188 = arith.index_cast %scan3A_129 : i32 to index
          %get3A_189 = arith.constant 64 : index
          %get3A_190 = tpu.vector_load %arg14[%get3A_188, %get3A_189] {strides = array<i32>} : memref<64x128xf32, #tpu.memory_space<vmem>>, vector<1x16xf32>,
          %get3A_191 = vector.shape_cast %get3A_190 : vector<1x16xf32> to vector<16xf32>
          %mul3A_192 = arith.mulf %get3A_187, %get3A_191 : vector<16xf32>
          %swap3A_193 = arith.index_cast %scan3A_129 : i32 to index
          %swap3A_194 = arith.constant 64 : index
          %swap3A_195 = tpu.vector_load %arg12[%swap3A_193, %swap3A_194] {strides = array<i32>} : memref<64x128xf32, #tpu.memory_space<vmem>>, vector<1x16xf32>,
          %swap3A_196 = vector.shape_cast %swap3A_195 : vector<1x16xf32> to vector<16xf32>
          %swap3A_197 = vector.shape_cast %mul3A_192 : vector<16xf32> to vector<1x16xf32>
          tpu.vector_store %arg12[%swap3A_193, %swap3A_194], %swap3A_197 {strides = array<i32>} : memref<64x128xf32, #tpu.memory_space<vmem>>, vector<1x16xf32>,
          %get3A_198 = arith.index_cast %scan3A_129 : i32 to index
          %get3A_199 = arith.constant 80 : index
          %get3A_200 = tpu.vector_load %arg12[%get3A_198, %get3A_199] {strides = array<i32>} : memref<64x128xf32, #tpu.memory_space<vmem>>, vector<1x16xf32>,
          %get3A_201 = vector.shape_cast %get3A_200 : vector<1x16xf32> to vector<16xf32>
          %get3A_202 = arith.index_cast %scan3A_129 : i32 to index
          %get3A_203 = arith.constant 80 : index
          %get3A_204 = tpu.vector_load %arg14[%get3A_202, %get3A_203] {strides = array<i32>} : memref<64x128xf32, #tpu.memory_space<vmem>>, vector<1x16xf32>,
          %get3A_205 = vector.shape_cast %get3A_204 : vector<1x16xf32> to vector<16xf32>
          %mul3A_206 = arith.mulf %get3A_201, %get3A_205 : vector<16xf32>
          %swap3A_207 = arith.index_cast %scan3A_129 : i32 to index
          %swap3A_208 = arith.constant 80 : index
          %swap3A_209 = tpu.vector_load %arg12[%swap3A_207, %swap3A_208] {strides = array<i32>} : memref<64x128xf32, #tpu.memory_space<vmem>>, vector<1x16xf32>,
          %swap3A_210 = vector.shape_cast %swap3A_209 : vector<1x16xf32> to vector<16xf32>
          %swap3A_211 = vector.shape_cast %mul3A_206 : vector<16xf32> to vector<1x16xf32>
          tpu.vector_store %arg12[%swap3A_207, %swap3A_208], %swap3A_211 {strides = array<i32>} : memref<64x128xf32, #tpu.memory_space<vmem>>, vector<1x16xf32>,
          %get3A_212 = arith.index_cast %scan3A_129 : i32 to index
          %get3A_213 = arith.constant 96 : index
          %get3A_214 = tpu.vector_load %arg12[%get3A_212, %get3A_213] {strides = array<i32>} : memref<64x128xf32, #tpu.memory_space<vmem>>, vector<1x16xf32>,
          %get3A_215 = vector.shape_cast %get3A_214 : vector<1x16xf32> to vector<16xf32>
          %get3A_216 = arith.index_cast %scan3A_129 : i32 to index
          %get3A_217 = arith.constant 96 : index
          %get3A_218 = tpu.vector_load %arg14[%get3A_216, %get3A_217] {strides = array<i32>} : memref<64x128xf32, #tpu.memory_space<vmem>>, vector<1x16xf32>,
          %get3A_219 = vector.shape_cast %get3A_218 : vector<1x16xf32> to vector<16xf32>
          %mul3A_220 = arith.mulf %get3A_215, %get3A_219 : vector<16xf32>
          %swap3A_221 = arith.index_cast %scan3A_129 : i32 to index
          %swap3A_222 = arith.constant 96 : index
          %swap3A_223 = tpu.vector_load %arg12[%swap3A_221, %swap3A_222] {strides = array<i32>} : memref<64x128xf32, #tpu.memory_space<vmem>>, vector<1x16xf32>,
          %swap3A_224 = vector.shape_cast %swap3A_223 : vector<1x16xf32> to vector<16xf32>
          %swap3A_225 = vector.shape_cast %mul3A_220 : vector<16xf32> to vector<1x16xf32>
          tpu.vector_store %arg12[%swap3A_221, %swap3A_222], %swap3A_225 {strides = array<i32>} : memref<64x128xf32, #tpu.memory_space<vmem>>, vector<1x16xf32>,
          %get3A_226 = arith.index_cast %scan3A_129 : i32 to index
          %get3A_227 = arith.constant 112 : index
          %get3A_228 = tpu.vector_load %arg12[%get3A_226, %get3A_227] {strides = array<i32>} : memref<64x128xf32, #tpu.memory_space<vmem>>, vector<1x16xf32>,
          %get3A_229 = vector.shape_cast %get3A_228 : vector<1x16xf32> to vector<16xf32>
          %get3A_230 = arith.index_cast %scan3A_129 : i32 to index
          %get3A_231 = arith.constant 112 : index
          %get3A_232 = tpu.vector_load %arg14[%get3A_230, %get3A_231] {strides = array<i32>} : memref<64x128xf32, #tpu.memory_space<vmem>>, vector<1x16xf32>,
          %get3A_233 = vector.shape_cast %get3A_232 : vector<1x16xf32> to vector<16xf32>
          %mul3A_234 = arith.mulf %get3A_229, %get3A_233 : vector<16xf32>
          %swap3A_235 = arith.index_cast %scan3A_129 : i32 to index
          %swap3A_236 = arith.constant 112 : index
          %swap3A_237 = tpu.vector_load %arg12[%swap3A_235, %swap3A_236] {strides = array<i32>} : memref<64x128xf32, #tpu.memory_space<vmem>>, vector<1x16xf32>,
          %swap3A_238 = vector.shape_cast %swap3A_237 : vector<1x16xf32> to vector<16xf32>
          %swap3A_239 = vector.shape_cast %mul3A_234 : vector<16xf32> to vector<1x16xf32>
          tpu.vector_store %arg12[%swap3A_235, %swap3A_236], %swap3A_239 {strides = array<i32>} : memref<64x128xf32, #tpu.memory_space<vmem>>, vector<1x16xf32>,
        }
        %scan3A_128 = arith.constant 64 : i32
        "tpu.region"() ({
          %run_scoped3A = tpu.sem_alloc : memref<!tpu.dma_semaphore, #tpu.memory_space<semaphore_mem>>
          %dma_start3A_129 = arith.constant 0 : i32
          %dma_start3A_130 = arith.constant 0 : i32
          %dma_start3A_131 = tpu.memref_slice %arg15[%dma_start3A_129, %dma_start3A_130] : memref<10240x128xf32, #tpu.memory_space<vmem_shared>> -> memref<10240x128xf32, #tpu.memory_space<vmem_shared>>
          tpu.enqueue_indirect_dma source(%arg12 : memref<64x128xf32, #tpu.memory_space<vmem>>) target(%dma_start3A_131 : memref<10240x128xf32, #tpu.memory_space<vmem_shared>>) offsets(%arg10 : memref<64xi32, #tpu.memory_space<vmem>>) semaphore(%run_scoped3A : memref<!tpu.dma_semaphore, #tpu.memory_space<semaphore_mem>>) {add = true}
          %dma_wait3A_132 = arith.constant 0 : i32
          %dma_wait3A_133 = arith.constant 0 : i32
          %dma_wait3A_134 = tpu.memref_slice %arg15[%dma_wait3A_132, %dma_wait3A_133] : memref<10240x128xf32, #tpu.memory_space<vmem_shared>> -> memref<10240x128xf32, #tpu.memory_space<vmem_shared>>
          tpu.wait_indirect_dma semaphore(%run_scoped3A : memref<!tpu.dma_semaphore, #tpu.memory_space<semaphore_mem>>) src(%arg12 : memref<64x128xf32, #tpu.memory_space<vmem>>) dst(%dma_wait3A_134 : memref<10240x128xf32, #tpu.memory_space<vmem_shared>>)
          tpu.yield
        }) : () -> ()
      } else {
      }
    }
    %scan3A_74 = arith.constant 79 : i32
    %barrier3A_75 = arith.constant 0 : index
    tpu.barrier barrier_id(%barrier3A_75)
    %mul3A_76 = arith.constant 640 : i32
    %mul3A_77 = arith.muli %arg1, %mul3A_76 : i32
    %mul3A_78 = arith.constant 640 : i32
    %mul3A_79 = arith.muli %arg1, %mul3A_78 : i32
    "tpu.region"() ({
      %run_scoped3A = tpu.sem_alloc : memref<!tpu.dma_semaphore, #tpu.memory_space<semaphore_mem>>
      %dma_start3A_80 = arith.constant 0 : i32
      %dma_start3A_81 = tpu.memref_slice %arg7[%arg0, %mul3A_79, %dma_start3A_80] : memref<2x10240x128xf32, #tpu.memory_space<hbm>> -> memref<1x640x128xf32, #tpu.memory_space<hbm>>
      %dma_start3A_82 = tpu.memref_squeeze %dma_start3A_81 : memref<1x640x128xf32, #tpu.memory_space<hbm>> -> memref<640x128xf32, #tpu.memory_space<hbm>>
      %dma_start3A_83 = arith.constant 0 : i32
      %dma_start3A_84 = tpu.memref_slice %arg15[%mul3A_77, %dma_start3A_83] : memref<10240x128xf32, #tpu.memory_space<vmem_shared>> -> memref<640x128xf32, #tpu.memory_space<vmem_shared>>
      tpu.enqueue_dma source(%dma_start3A_84 : memref<640x128xf32, #tpu.memory_space<vmem_shared>>) target(%dma_start3A_82 : memref<640x128xf32, #tpu.memory_space<hbm>>) target_semaphore(%run_scoped3A : memref<!tpu.dma_semaphore, #tpu.memory_space<semaphore_mem>>)
      %dma_wait3A = arith.constant 0 : i32
      %dma_wait3A_85 = tpu.memref_slice %arg7[%arg0, %mul3A_79, %dma_wait3A] : memref<2x10240x128xf32, #tpu.memory_space<hbm>> -> memref<1x640x128xf32, #tpu.memory_space<hbm>>
      %dma_wait3A_86 = tpu.memref_squeeze %dma_wait3A_85 : memref<1x640x128xf32, #tpu.memory_space<hbm>> -> memref<640x128xf32, #tpu.memory_space<hbm>>
      %dma_wait3A_87 = arith.constant 0 : i32
      %dma_wait3A_88 = tpu.memref_slice %arg15[%mul3A_77, %dma_wait3A_87] : memref<10240x128xf32, #tpu.memory_space<vmem_shared>> -> memref<640x128xf32, #tpu.memory_space<vmem_shared>>
      tpu.wait_dma2 semaphore(%run_scoped3A : memref<!tpu.dma_semaphore, #tpu.memory_space<semaphore_mem>>) src(%dma_wait3A_88 : memref<640x128xf32, #tpu.memory_space<vmem_shared>>) dst(%dma_wait3A_86 : memref<640x128xf32, #tpu.memory_space<hbm>>)
      tpu.yield
    }) : () -> ()
    return
  }
}

module attributes {stable_mosaic.version = 14 : i64} {
  func.func @_h_body(%arg0: i32, %arg1: memref<1000x128xf32, #tpu.memory_space<vmem>>, %arg2: memref<128x128xf32, #tpu.memory_space<vmem>>, %arg3: memref<1x128xf32, #tpu.memory_space<vmem>>, %arg4: memref<1000x128xf32, #tpu.memory_space<vmem>>) attributes {dimension_semantics = [#tpu.dimension_semantics<arbitrary>], iteration_bounds = array<i64: 10>, scalar_prefetch = 0 : i64, scratch_operands = 0 : i64, tpu.core_type = #tpu.core_type<tc>, window_params = [{transform_indices = @transform_0, window_bounds = array<i64: 1000, 128>}, {pipeline_mode = #tpu.pipeline_mode<synchronous>, transform_indices = @transform_1, window_bounds = array<i64: 128, 128>}, {pipeline_mode = #tpu.pipeline_mode<synchronous>, transform_indices = @transform_2, window_bounds = array<i64: 1, 128>}, {transform_indices = @transform_3, window_bounds = array<i64: 1000, 128>}]} {
    %get3A = arith.constant 0 : index
    %get3A_0 = arith.constant 0 : index
    %get3A_1 = vector.load %arg1[%get3A, %get3A_0] : memref<1000x128xf32, #tpu.memory_space<vmem>>, vector<1000x128xf32>
    %get3A_2 = arith.constant 0 : index
    %get3A_3 = arith.constant 0 : index
    %get3A_4 = vector.load %arg2[%get3A_2, %get3A_3] : memref<128x128xf32, #tpu.memory_space<vmem>>, vector<128x128xf32>
    %dot_general3A = arith.constant dense<0.000000e+00> : vector<1000x128xf32>
    %dot_general3A_5 = tpu.matmul %get3A_1, %get3A_4, %dot_general3A {dimension_numbers = #tpu.dot_dimension_numbers<[1], [0], [0], [1], [0, 0, 1, 1], [], []>, transpose_lhs_hint = false} : vector<1000x128xf32>, vector<128x128xf32>, vector<1000x128xf32> -> vector<1000x128xf32>
    %get3A_6 = arith.constant 0 : index
    %get3A_7 = arith.constant 0 : index
    %get3A_8 = vector.load %arg3[%get3A_6, %get3A_7] : memref<1x128xf32, #tpu.memory_space<vmem>>, vector<1x128xf32>
    %add3A = vector.broadcast %get3A_8 : vector<1x128xf32> to vector<1000x128xf32>
    %add3A_9 = arith.addf %dot_general3A_5, %add3A : vector<1000x128xf32>
    %swap3A = arith.constant 0 : index
    %swap3A_10 = arith.constant 0 : index
    %swap3A_11 = vector.load %arg4[%swap3A, %swap3A_10] : memref<1000x128xf32, #tpu.memory_space<vmem>>, vector<1000x128xf32>
    tpu.vector_store %arg4[%swap3A, %swap3A_10], %add3A_9 {strides = array<i32>} : memref<1000x128xf32, #tpu.memory_space<vmem>>, vector<1000x128xf32>,
    return
  }
  func.func @transform_0(%arg0: i32) -> (i32, i32) {
    %c0_i32 = arith.constant 0 : i32
    %c0_i32_0 = arith.constant 0 : i32
    return %arg0, %c0_i32 : i32, i32
  }
  func.func @transform_1(%arg0: i32) -> (i32, i32) {
    %c0_i32 = arith.constant 0 : i32
    %c0_i32_0 = arith.constant 0 : i32
    %c0_i32_1 = arith.constant 0 : i32
    return %c0_i32, %c0_i32_0 : i32, i32
  }
  func.func @transform_2(%arg0: i32) -> (i32, i32) {
    %c0_i32 = arith.constant 0 : i32
    %c0_i32_0 = arith.constant 0 : i32
    %c0_i32_1 = arith.constant 0 : i32
    return %c0_i32, %c0_i32_0 : i32, i32
  }
  func.func @transform_3(%arg0: i32) -> (i32, i32) {
    %c0_i32 = arith.constant 0 : i32
    %c0_i32_0 = arith.constant 0 : i32
    return %arg0, %c0_i32 : i32, i32
  }
}

module attributes {stable_mosaic.version = 14 : i64} {
  func.func @_w_body(%arg0: i32, %arg1: memref<2000x128xf32, #tpu.memory_space<vmem>>, %arg2: memref<128x128xf32, #tpu.memory_space<vmem>>, %arg3: memref<1x128xf32, #tpu.memory_space<vmem>>, %arg4: memref<128x128xf32, #tpu.memory_space<vmem>>, %arg5: memref<1x128xf32, #tpu.memory_space<vmem>>, %arg6: memref<2000x128xf32, #tpu.memory_space<vmem>>) attributes {dimension_semantics = [#tpu.dimension_semantics<arbitrary>], iteration_bounds = array<i64: 160>, scalar_prefetch = 0 : i64, scratch_operands = 0 : i64, tpu.core_type = #tpu.core_type<tc>, window_params = [{transform_indices = @transform_0, window_bounds = array<i64: 2000, 128>}, {pipeline_mode = #tpu.pipeline_mode<synchronous>, transform_indices = @transform_1, window_bounds = array<i64: 128, 128>}, {pipeline_mode = #tpu.pipeline_mode<synchronous>, transform_indices = @transform_2, window_bounds = array<i64: 1, 128>}, {pipeline_mode = #tpu.pipeline_mode<synchronous>, transform_indices = @transform_3, window_bounds = array<i64: 128, 128>}, {pipeline_mode = #tpu.pipeline_mode<synchronous>, transform_indices = @transform_4, window_bounds = array<i64: 1, 128>}, {transform_indices = @transform_5, window_bounds = array<i64: 2000, 128>}]} {
    %get3A = arith.constant 0 : index
    %get3A_0 = arith.constant 0 : index
    %get3A_1 = vector.load %arg1[%get3A, %get3A_0] : memref<2000x128xf32, #tpu.memory_space<vmem>>, vector<2000x128xf32>
    %get3A_2 = arith.constant 0 : index
    %get3A_3 = arith.constant 0 : index
    %get3A_4 = vector.load %arg2[%get3A_2, %get3A_3] : memref<128x128xf32, #tpu.memory_space<vmem>>, vector<128x128xf32>
    %dot_general3A = arith.constant dense<0.000000e+00> : vector<2000x128xf32>
    %dot_general3A_5 = tpu.matmul %get3A_1, %get3A_4, %dot_general3A {dimension_numbers = #tpu.dot_dimension_numbers<[1], [0], [0], [1], [0, 0, 1, 1], [], []>, transpose_lhs_hint = false} : vector<2000x128xf32>, vector<128x128xf32>, vector<2000x128xf32> -> vector<2000x128xf32>
    %get3A_6 = arith.constant 0 : index
    %get3A_7 = arith.constant 0 : index
    %get3A_8 = vector.load %arg3[%get3A_6, %get3A_7] : memref<1x128xf32, #tpu.memory_space<vmem>>, vector<1x128xf32>
    %add3A = vector.broadcast %get3A_8 : vector<1x128xf32> to vector<2000x128xf32>
    %add3A_9 = arith.addf %dot_general3A_5, %add3A : vector<2000x128xf32>
    %max3A = arith.constant 0.000000e+00 : f32
    %max3A_10 = vector.broadcast %max3A : f32 to vector<2000x128xf32>
    %max3A_11 = arith.maximumf %add3A_9, %max3A_10 : vector<2000x128xf32>
    %abs3A = math.absf %add3A_9 : vector<2000x128xf32>
    %neg3A = arith.constant 0.000000e+00 : f32
    %neg3A_12 = vector.broadcast %neg3A : f32 to vector<2000x128xf32>
    %neg3A_13 = arith.subf %neg3A_12, %abs3A : vector<2000x128xf32>
    %exp3A = math.exp %neg3A_13 : vector<2000x128xf32>
    %add3A_14 = arith.constant 1.000000e+00 : f32
    %add3A_15 = vector.broadcast %add3A_14 : f32 to vector<2000x128xf32>
    %add3A_16 = arith.addf %add3A_15, %exp3A : vector<2000x128xf32>
    %log3A = math.log %add3A_16 : vector<2000x128xf32>
    %add3A_17 = arith.addf %max3A_11, %log3A : vector<2000x128xf32>
    %sub3A = arith.constant 0.693147182 : f32
    %sub3A_18 = vector.broadcast %sub3A : f32 to vector<2000x128xf32>
    %sub3A_19 = arith.subf %add3A_17, %sub3A_18 : vector<2000x128xf32>
    %get3A_20 = arith.constant 0 : index
    %get3A_21 = arith.constant 0 : index
    %get3A_22 = vector.load %arg4[%get3A_20, %get3A_21] : memref<128x128xf32, #tpu.memory_space<vmem>>, vector<128x128xf32>
    %dot_general3A_23 = arith.constant dense<0.000000e+00> : vector<2000x128xf32>
    %dot_general3A_24 = tpu.matmul %sub3A_19, %get3A_22, %dot_general3A_23 {dimension_numbers = #tpu.dot_dimension_numbers<[1], [0], [0], [1], [0, 0, 1, 1], [], []>, transpose_lhs_hint = false} : vector<2000x128xf32>, vector<128x128xf32>, vector<2000x128xf32> -> vector<2000x128xf32>
    %get3A_25 = arith.constant 0 : index
    %get3A_26 = arith.constant 0 : index
    %get3A_27 = vector.load %arg5[%get3A_25, %get3A_26] : memref<1x128xf32, #tpu.memory_space<vmem>>, vector<1x128xf32>
    %add3A_28 = vector.broadcast %get3A_27 : vector<1x128xf32> to vector<2000x128xf32>
    %add3A_29 = arith.addf %dot_general3A_24, %add3A_28 : vector<2000x128xf32>
    %swap3A = arith.constant 0 : index
    %swap3A_30 = arith.constant 0 : index
    %swap3A_31 = vector.load %arg6[%swap3A, %swap3A_30] : memref<2000x128xf32, #tpu.memory_space<vmem>>, vector<2000x128xf32>
    tpu.vector_store %arg6[%swap3A, %swap3A_30], %add3A_29 {strides = array<i32>} : memref<2000x128xf32, #tpu.memory_space<vmem>>, vector<2000x128xf32>,
    return
  }
  func.func @transform_0(%arg0: i32) -> (i32, i32) {
    %c0_i32 = arith.constant 0 : i32
    %c0_i32_0 = arith.constant 0 : i32
    return %arg0, %c0_i32 : i32, i32
  }
  func.func @transform_1(%arg0: i32) -> (i32, i32) {
    %c0_i32 = arith.constant 0 : i32
    %c0_i32_0 = arith.constant 0 : i32
    %c0_i32_1 = arith.constant 0 : i32
    return %c0_i32, %c0_i32_0 : i32, i32
  }
  func.func @transform_2(%arg0: i32) -> (i32, i32) {
    %c0_i32 = arith.constant 0 : i32
    %c0_i32_0 = arith.constant 0 : i32
    %c0_i32_1 = arith.constant 0 : i32
    return %c0_i32, %c0_i32_0 : i32, i32
  }
  func.func @transform_3(%arg0: i32) -> (i32, i32) {
    %c0_i32 = arith.constant 0 : i32
    %c0_i32_0 = arith.constant 0 : i32
    %c0_i32_1 = arith.constant 0 : i32
    return %c0_i32, %c0_i32_0 : i32, i32
  }
  func.func @transform_4(%arg0: i32) -> (i32, i32) {
    %c0_i32 = arith.constant 0 : i32
    %c0_i32_0 = arith.constant 0 : i32
    %c0_i32_1 = arith.constant 0 : i32
    return %c0_i32, %c0_i32_0 : i32, i32
  }
  func.func @transform_5(%arg0: i32) -> (i32, i32) {
    %c0_i32 = arith.constant 0 : i32
    %c0_i32_0 = arith.constant 0 : i32
    return %arg0, %c0_i32 : i32, i32
  }
}

module attributes {stable_mosaic.version = 14 : i64} {
  func.func @_f_body(%arg0: i32, %arg1: memref<2x1000x128xf32, #tpu.memory_space<vmem>>, %arg2: memref<1000x128xf32, #tpu.memory_space<vmem>>, %arg3: memref<128x128xf32, #tpu.memory_space<vmem>>, %arg4: memref<1x128xf32, #tpu.memory_space<vmem>>, %arg5: memref<128x128xf32, #tpu.memory_space<vmem>>, %arg6: memref<1x128xf32, #tpu.memory_space<vmem>>, %arg7: memref<1000x128xf32, #tpu.memory_space<vmem>>) attributes {dimension_semantics = [#tpu.dimension_semantics<arbitrary>], iteration_bounds = array<i64: 10>, scalar_prefetch = 0 : i64, scratch_operands = 0 : i64, tpu.core_type = #tpu.core_type<tc>, window_params = [{transform_indices = @transform_0, window_bounds = array<i64: 2, 1000, 128>}, {transform_indices = @transform_1, window_bounds = array<i64: 1000, 128>}, {pipeline_mode = #tpu.pipeline_mode<synchronous>, transform_indices = @transform_2, window_bounds = array<i64: 128, 128>}, {pipeline_mode = #tpu.pipeline_mode<synchronous>, transform_indices = @transform_3, window_bounds = array<i64: 1, 128>}, {pipeline_mode = #tpu.pipeline_mode<synchronous>, transform_indices = @transform_4, window_bounds = array<i64: 128, 128>}, {pipeline_mode = #tpu.pipeline_mode<synchronous>, transform_indices = @transform_5, window_bounds = array<i64: 1, 128>}, {transform_indices = @transform_6, window_bounds = array<i64: 1000, 128>}]} {
    %get3A = arith.constant 0 : index
    %get3A_0 = arith.constant 0 : index
    %get3A_1 = arith.constant 0 : index
    %get3A_2 = vector.load %arg1[%get3A, %get3A_0, %get3A_1] : memref<2x1000x128xf32, #tpu.memory_space<vmem>>, vector<1x1000x128xf32>
    %get3A_3 = vector.shape_cast %get3A_2 : vector<1x1000x128xf32> to vector<1000x128xf32>
    %get3A_4 = arith.constant 1 : index
    %get3A_5 = arith.constant 0 : index
    %get3A_6 = arith.constant 0 : index
    %get3A_7 = vector.load %arg1[%get3A_4, %get3A_5, %get3A_6] : memref<2x1000x128xf32, #tpu.memory_space<vmem>>, vector<1x1000x128xf32>
    %get3A_8 = vector.shape_cast %get3A_7 : vector<1x1000x128xf32> to vector<1000x128xf32>
    %add3A = arith.addf %get3A_3, %get3A_8 : vector<1000x128xf32>
    %get3A_9 = arith.constant 0 : index
    %get3A_10 = arith.constant 0 : index
    %get3A_11 = vector.load %arg3[%get3A_9, %get3A_10] : memref<128x128xf32, #tpu.memory_space<vmem>>, vector<128x128xf32>
    %dot_general3A = arith.constant dense<0.000000e+00> : vector<1000x128xf32>
    %dot_general3A_12 = tpu.matmul %add3A, %get3A_11, %dot_general3A {dimension_numbers = #tpu.dot_dimension_numbers<[1], [0], [0], [1], [0, 0, 1, 1], [], []>, transpose_lhs_hint = false} : vector<1000x128xf32>, vector<128x128xf32>, vector<1000x128xf32> -> vector<1000x128xf32>
    %get3A_13 = arith.constant 0 : index
    %get3A_14 = arith.constant 0 : index
    %get3A_15 = vector.load %arg4[%get3A_13, %get3A_14] : memref<1x128xf32, #tpu.memory_space<vmem>>, vector<1x128xf32>
    %add3A_16 = vector.broadcast %get3A_15 : vector<1x128xf32> to vector<1000x128xf32>
    %add3A_17 = arith.addf %dot_general3A_12, %add3A_16 : vector<1000x128xf32>
    %max3A = arith.constant 0.000000e+00 : f32
    %max3A_18 = vector.broadcast %max3A : f32 to vector<1000x128xf32>
    %max3A_19 = arith.maximumf %add3A_17, %max3A_18 : vector<1000x128xf32>
    %abs3A = math.absf %add3A_17 : vector<1000x128xf32>
    %neg3A = arith.constant 0.000000e+00 : f32
    %neg3A_20 = vector.broadcast %neg3A : f32 to vector<1000x128xf32>
    %neg3A_21 = arith.subf %neg3A_20, %abs3A : vector<1000x128xf32>
    %exp3A = math.exp %neg3A_21 : vector<1000x128xf32>
    %add3A_22 = arith.constant 1.000000e+00 : f32
    %add3A_23 = vector.broadcast %add3A_22 : f32 to vector<1000x128xf32>
    %add3A_24 = arith.addf %add3A_23, %exp3A : vector<1000x128xf32>
    %log3A = math.log %add3A_24 : vector<1000x128xf32>
    %add3A_25 = arith.addf %max3A_19, %log3A : vector<1000x128xf32>
    %sub3A = arith.constant 0.693147182 : f32
    %sub3A_26 = vector.broadcast %sub3A : f32 to vector<1000x128xf32>
    %sub3A_27 = arith.subf %add3A_25, %sub3A_26 : vector<1000x128xf32>
    %get3A_28 = arith.constant 0 : index
    %get3A_29 = arith.constant 0 : index
    %get3A_30 = vector.load %arg5[%get3A_28, %get3A_29] : memref<128x128xf32, #tpu.memory_space<vmem>>, vector<128x128xf32>
    %dot_general3A_31 = arith.constant dense<0.000000e+00> : vector<1000x128xf32>
    %dot_general3A_32 = tpu.matmul %sub3A_27, %get3A_30, %dot_general3A_31 {dimension_numbers = #tpu.dot_dimension_numbers<[1], [0], [0], [1], [0, 0, 1, 1], [], []>, transpose_lhs_hint = false} : vector<1000x128xf32>, vector<128x128xf32>, vector<1000x128xf32> -> vector<1000x128xf32>
    %get3A_33 = arith.constant 0 : index
    %get3A_34 = arith.constant 0 : index
    %get3A_35 = vector.load %arg6[%get3A_33, %get3A_34] : memref<1x128xf32, #tpu.memory_space<vmem>>, vector<1x128xf32>
    %add3A_36 = vector.broadcast %get3A_35 : vector<1x128xf32> to vector<1000x128xf32>
    %add3A_37 = arith.addf %dot_general3A_32, %add3A_36 : vector<1000x128xf32>
    %get3A_38 = arith.constant 0 : index
    %get3A_39 = arith.constant 0 : index
    %get3A_40 = vector.load %arg2[%get3A_38, %get3A_39] : memref<1000x128xf32, #tpu.memory_space<vmem>>, vector<1000x128xf32>
    %add3A_41 = arith.addf %add3A_37, %get3A_40 : vector<1000x128xf32>
    %swap3A = arith.constant 0 : index
    %swap3A_42 = arith.constant 0 : index
    %swap3A_43 = vector.load %arg7[%swap3A, %swap3A_42] : memref<1000x128xf32, #tpu.memory_space<vmem>>, vector<1000x128xf32>
    tpu.vector_store %arg7[%swap3A, %swap3A_42], %add3A_41 {strides = array<i32>} : memref<1000x128xf32, #tpu.memory_space<vmem>>, vector<1000x128xf32>,
    return
  }
  func.func @transform_0(%arg0: i32) -> (i32, i32, i32) {
    %c0_i32 = arith.constant 0 : i32
    %c0_i32_0 = arith.constant 0 : i32
    %c0_i32_1 = arith.constant 0 : i32
    return %c0_i32, %arg0, %c0_i32_0 : i32, i32, i32
  }
  func.func @transform_1(%arg0: i32) -> (i32, i32) {
    %c0_i32 = arith.constant 0 : i32
    %c0_i32_0 = arith.constant 0 : i32
    return %arg0, %c0_i32 : i32, i32
  }
  func.func @transform_2(%arg0: i32) -> (i32, i32) {
    %c0_i32 = arith.constant 0 : i32
    %c0_i32_0 = arith.constant 0 : i32
    %c0_i32_1 = arith.constant 0 : i32
    return %c0_i32, %c0_i32_0 : i32, i32
  }
  func.func @transform_3(%arg0: i32) -> (i32, i32) {
    %c0_i32 = arith.constant 0 : i32
    %c0_i32_0 = arith.constant 0 : i32
    %c0_i32_1 = arith.constant 0 : i32
    return %c0_i32, %c0_i32_0 : i32, i32
  }
  func.func @transform_4(%arg0: i32) -> (i32, i32) {
    %c0_i32 = arith.constant 0 : i32
    %c0_i32_0 = arith.constant 0 : i32
    %c0_i32_1 = arith.constant 0 : i32
    return %c0_i32, %c0_i32_0 : i32, i32
  }
  func.func @transform_5(%arg0: i32) -> (i32, i32) {
    %c0_i32 = arith.constant 0 : i32
    %c0_i32_0 = arith.constant 0 : i32
    %c0_i32_1 = arith.constant 0 : i32
    return %c0_i32, %c0_i32_0 : i32, i32
  }
  func.func @transform_6(%arg0: i32) -> (i32, i32) {
    %c0_i32 = arith.constant 0 : i32
    %c0_i32_0 = arith.constant 0 : i32
    return %arg0, %c0_i32 : i32, i32
  }
}

</mosaic_0001>

<sc_bundles>
// kernel: kernel.6.cloned.1.call-start
scs
__scs_entry_jumppad:
0x0: {  	(pc) =	sbr.rel $0x88, $3  }
0x1: {  	(tag) =	ssettag $0x0;
	lr =	simm.s32 $0x1  }
0x2: {  	[smem:$0x3F94] =	sst lr;
	_ =	strace $0xD0000000  }
0x3: {  	_ = 	snop  }
0x4: {  	_ = 	snop  }
0x5: {  	_ = 	snop  }
0x6: {  	_ = 	snop  }
0x7: {  	_ = 	snop  }
__scs_overlays_trampoline_lowered:
0x8: {  	[smem:$0x3FA3] =	sst s0  }
0x9: {  	[smem:$0x3FA4] =	sst s1  }
0xa: {  	[smem:$0x3FA5] =	sst s2  }
0xb: {  	[smem:$0x3FA6] =	sst s3  }
0xc: {  	[smem:$0x3FA7] =	sst s4  }
0xd: {  	[smem:$0x3FA8] =	sst s5  }
0xe: {  	[smem:$0x3FA9] =	sst s6  }
0xf: {  	[smem:$0x3FAA] =	sst s7  }
0x10: {  	[smem:$0x3FAB] =	sst s8  }
0x11: {  	[smem:$0x3FAC] =	sst s9;
	s0 =	simm.s32 @!p0 $0x0  }
0x12: {  	s1 =	sld [smem:$0x3F92];
	s0 =	simm.s32 @p0 $0x1  }
0x13: {  	[smem:$0x3FAD] =	sst s0;
	s0 =	simm.s32 @!p1 $0x0  }
0x14: {  	s2 =	sld [smem:$0x3F91];
	s0 =	simm.s32 @p1 $0x1  }
0x15: {  	[smem:$0x3FAE] =	sst s0;
	s0 =	simm.s32 @!p2 $0x0  }
0x16: {  	s3 =	sld [smem:$0x3FDB];
	s0 =	simm.s32 @p2 $0x1  }
0x17: {  	s4 =	simm.s32 $0x1BF5;
	[smem:$0x3FB0] =	sst s0  }
0x18: {  	s0 =	sld [smem:$0x3F93];
	_ =	swait.ge [sflag:s4], $0x0  }
0x19: {  	s7 =	sld [smem:$0x3F94]  }
0x1a: {  	s8 =	sadd.s32 $0xFFFFE003, lr  }
0x1b: {  	s9 =	sadd.s32 $0xFFFFFEF7, lr;
	s5 =	simm.s32 $0xFFFFFFFF;
	p2 =	slt.u32 s8, $0xFFFFF086  }
0x1c: {  	p1 =	slt.u32 s9, $0xF7A;
	s5 =	simm.s32 @!p2 $0x0  }
0x1d: {  	s5 =	simm.s32 @p1 $0x1;
	p0 =	seq.s32 s7, s2  }
0x1e: {  	s7 =	smul.u32 @!p0 $0xF7A, s2;
	p2 =	seq.s32 @!p0 s5, $0x0  }
0x1f: {  	s9 =	smul.u32 $0xF7A, s1;
	s8 =	simm.s32 @!p0 $0x1BF5;
	p2 =	por !p2, p0  }
0x20: {  	[sflag:s8] =	ssyncset.s32 @!p0 $0xFFFFF086;
	s6 =	sadd.s32 @!p0 s3, s7;
	s7 =	simm.s32 @!p0 $0x108  }
0x21: {  	s3 =	sadd.s32 s3, s9;
	s6 =	sadd.s32 @!p0 $0x88, s6;
	s7 =	simm.s32 @p2 $0x1082  }
0x22: {  	[simem:s7], [sflag:s8] =	dma.local @!p0 [hbm:s6], $0xF7A  }
0x23: {  	s9 =	sor.u32 $0xD0000000, s2;
	s6 =	simm.s32 $0x108;
	_ =	swait.ge @!p0 [sflag:s8], $0x0  }
0x24: {  	s3 =	sadd.s32 $0x88, s3;
	s6 =	simm.s32 @!p1 $0x1082;
	[sflag:s4] =	ssyncset.s32 $0xFFFFF086  }
0x25: {  	[simem:s6], [sflag:s4] =	dma.local [hbm:s3], $0xF7A  }
0x26: {  	[smem:$0x3F94] =	sst s1;
	(tag) =	ssettag s2;
	_ =	strace s9  }
0x27: {  	s1 =	sld [smem:$0x3FA4]  }
0x28: {  	s2 =	sld [smem:$0x3FA5]  }
0x29: {  	s4 =	sld [smem:$0x3FA7]  }
0x2a: {  	p0 =	seq.s32 s5, $0x0;
	s5 =	sld [smem:$0x3FA8]  }
0x2b: {  	s6 =	sld [smem:$0x3FA9]  }
0x2c: {  	s7 =	sld [smem:$0x3FAA]  }
0x2d: {  	s3 =	simm.s32 $0x108;
	s8 =	sld [smem:$0x3FAB]  }
0x2e: {  	s3 =	simm.s32 @!p0 $0x1082;
	s9 =	sld [smem:$0x3FAC]  }
0x2f: {  	lr =	sadd.s32 s0, s3;
	s0 =	sld [smem:$0x3FA3]  }
0x30: {  	s3 =	sld [smem:$0x3FA6]  }
0x31: {  	[smem:$0x3FAF] =	sst s10  }
0x32: {  	s10 =	sld [smem:$0x3FAD];
	_ =	sdelay $0x3  }
0x33: {  	p0 =	seq.s32 s10, $0x1;
	s10 =	sld [smem:$0x3FAF];
	_ =	sdelay $0x3  }
0x34: {  	[smem:$0x3FAF] =	sst s10  }
0x35: {  	s10 =	sld [smem:$0x3FAE];
	_ =	sdelay $0x3  }
0x36: {  	p1 =	seq.s32 s10, $0x1;
	s10 =	sld [smem:$0x3FAF];
	_ =	sdelay $0x3  }
0x37: {  	[smem:$0x3FAF] =	sst s10  }
0x38: {  	s10 =	sld [smem:$0x3FB0]  }
0x39: {  	_ = 	snop;
	(pc) =	sbr.ind lr, $3  }
0x3a: {  	_ = 	snop  }
0x3b: {  	_ = 	snop  }
0x3c: {  	p2 =	seq.s32 s10, $0x1;
	s10 =	sld [smem:$0x3FAF]  }
0x3d: {  	_ =	shalt  }
0x3e: {  	_ =	shalt  }
0x3f: {  	_ =	shalt  }
0x40: {  	_ =	shalt  }
0x41: {  	_ =	shalt  }
0x42: {  	_ =	shalt  }
0x43: {  	_ =	shalt  }
0x44: {  	_ =	shalt  }
0x45: {  	_ =	shalt  }
0x46: {  	_ =	shalt  }
0x47: {  	_ =	shalt  }
0x48: {  	_ =	shalt  }
0x49: {  	_ =	shalt  }
0x4a: {  	_ =	shalt  }
0x4b: {  	_ =	shalt  }
0x4c: {  	_ =	shalt  }
0x4d: {  	_ =	shalt  }
0x4e: {  	_ =	shalt  }
0x4f: {  	_ =	shalt  }
0x50: {  	_ =	shalt  }
0x51: {  	_ =	shalt  }
0x52: {  	_ =	shalt  }
0x53: {  	_ =	shalt  }
0x54: {  	_ =	shalt  }
0x55: {  	_ =	shalt  }
0x56: {  	_ =	shalt  }
0x57: {  	_ =	shalt  }
0x58: {  	_ =	shalt  }
0x59: {  	_ =	shalt  }
0x5a: {  	_ =	shalt  }
0x5b: {  	_ =	shalt  }
0x5c: {  	_ =	shalt  }
0x5d: {  	_ =	shalt  }
0x5e: {  	_ =	shalt  }
0x5f: {  	_ =	shalt  }
0x60: {  	_ =	shalt  }
0x61: {  	_ =	shalt  }
0x62: {  	_ =	shalt  }
0x63: {  	_ =	shalt  }
0x64: {  	_ =	shalt  }
0x65: {  	_ =	shalt  }
0x66: {  	_ =	shalt  }
0x67: {  	_ =	shalt  }
0x68: {  	_ =	shalt  }
0x69: {  	_ =	shalt  }
0x6a: {  	_ =	shalt  }
0x6b: {  	_ =	shalt  }
0x6c: {  	_ =	shalt  }
0x6d: {  	_ =	shalt  }
0x6e: {  	_ =	shalt  }
0x6f: {  	_ =	shalt  }
0x70: {  	_ =	shalt  }
0x71: {  	_ =	shalt  }
0x72: {  	_ =	shalt  }
0x73: {  	_ =	shalt  }
0x74: {  	_ =	shalt  }
0x75: {  	_ =	shalt  }
0x76: {  	_ =	shalt  }
0x77: {  	_ =	shalt  }
0x78: {  	_ =	shalt  }
0x79: {  	_ =	shalt  }
0x7a: {  	_ =	shalt  }
0x7b: {  	_ =	shalt  }
0x7c: {  	_ =	shalt  }
0x7d: {  	_ =	shalt  }
0x7e: {  	_ =	shalt  }
0x7f: {  	_ =	shalt  }
0x80: {  	_ =	shalt  }
0x81: {  	_ =	shalt  }
0x82: {  	_ =	shalt  }
0x83: {  	_ =	shalt  }
0x84: {  	_ =	shalt  }
0x85: {  	_ =	shalt  }
0x86: {  	_ =	shalt  }
0x87: {  	_ =	shalt  }
.Lfunc_end0:
.L_simem_size_0:
called_computation_lowered:
.L_overlay_start_0:
0x88: {  	s2 =	sld [smem:$0x3FD9]  }
0x89: {  	s3 =	sld [smem:$0x3FFE];
	_ =	sdelay $0x1  }
0x8a: {  	s1 =	srdreg.scid  }
0x8b: {  	s0 =	sand.u32 $0x1, s1  }
0x8c: {  	s17 =	sshll.u32 s0, $0xA;
	s2 =	sadd.s32 s3, s2  }
0x8d: {  	s2 =	sadd.s32 s2, s17  }
0x8e: {  	[smem:$0x3FBB] =	sst s2  }
0x8f: {  	_ = 	snop  }
0x90: {  	s2 =	sld [smem:$0x3FD0];
	(tm) =	ssettm $0x1  }
0x91: {  	s18 =	sld [smem:$0x3FFB];
	_ =	sdelay $0x3  }
0x92: {  	_ =	strace s18  }
0x93: {  	s3 =	sld [smem:$0x3FFC];
	_ =	sdelay $0x3  }
0x94: {  	_ =	strace s3  }
0x95: {  	s3 =	sld [smem:$0x3FFD];
	_ =	sdelay $0x3  }
0x96: {  	_ =	strace s3  }
0x97: {  	_ =	strace $0x8FFFFFFF  }
0x98: {  	s19 =	sld [smem:$0x3FDB];
	_ =	sdelay $0x1  }
0x99: {  	s4 =	simm.s32 $_scs_section_size  }
0x9a: {  	s5 =	simm.s32 $_size__tile_overlayer_lowered;
	s6 =	simm.s32 $_tile_overlayer_lowered  }
0x9b: {  	s22 =	simm.s32 $0x1BFF;
	s21 =	sshll.u32 s6, $0x1;
	s3 =	sadd.s32 s4, s19  }
0x9c: {  	s7 =	simm.s32 $0x0;
	s20 =	sshll.u32 s5, $0x1;
	s5 =	sadd.s32 s21, s3  }
0x9d: {  	[timem:s7], [sflag:s22] =	dma.local [hbm:s5], s20  }
0x9e: {  	_ =	swait.ge [sflag:s22], s20  }
0x9f: {  	s4 =	ssub.s32 $0x0, s20;
	[sflag:s22] =	ssyncset.done $0x0  }
0xa0: {  	[sflag:s22] =	ssyncadd.s32 s4;
	_ =	sdelay $0x1  }
0xa1: {  	s23 =	simm.s32 $0x1B8B  }
0xa2: {  	_ =	swait.ge [sflag:s23], $0x1  }
0xa3: {  	[sflag:s23] =	ssyncset.done $0x0  }
0xa4: {  	s25 =	simm.s32 $0x1B8E;
	s24 =	sld [smem:$0x3FFE];
	[sflag:s23] =	ssyncadd.s32 $0xFFFFFFFF  }
0xa5: {  	s26 =	simm.s32 $execute0_lowered;
	[smem:$0x3FD2] =	sst s25  }
0xa6: {  	s5 =	sshll.u32 s26, $0x1;
	_ =	strace $0x80000046;
	[dreg:$0x1] =	wrdreg $0xFFFFFFFF  }
0xa7: {  	s28 =	simm.s32 $_size_execute0_lowered;
	s3 =	sadd.s32 s3, s5;
	[dreg:$0x0] =	wrdreg $0x0  }
0xa8: {  	s5 =	sshll.u32 s28, $0x1;
	[dreg:$0x2] =	wrdreg s3  }
0xa9: {  	[dreg:$0x3] =	wrdreg s5  }
0xaa: {  	[dreg:$0x4] =	wrdreg $0xC0  }
0xab: {  	_ =	task [dreg:s7], $0x5FFFF  }
0xac: {  	[dreg:$0x1] =	wrdreg $0xFFFFFFFF  }
0xad: {  	[dreg:$0x0] =	wrdreg $0x60  }
0xae: {  	[dreg:$0x2] =	wrdreg s2  }
0xaf: {  	[dreg:$0x3] =	wrdreg s24  }
0xb0: {  	[dreg:$0x4] =	wrdreg $0xA8800  }
0xb1: {  	[dreg:$0x5] =	wrdreg $0x9  }
0xb2: {  	_ =	task.clear_ibuf [dreg:s7], $0x6FFFF;
	_ =	strace $0x90000046  }
0xb3: {  	s29 =	simm.s32 $0x9;
	_ =	strace $0x80000048  }
0xb4: {  	_ =	swait.ge [sflag:s29], $0x1  }
0xb5: {  	[sflag:s29] =	ssyncadd.s32 $0xFFFFFFFF  }
0xb6: {  	_ =	strace $0x90000048  }
0xb7: {  	_ =	sfence  }
0xb8: {  	s30 =	sld [smem:$0x0];
	_ =	sdelay $0x2  }
0xb9: {  	s31 =	sshll.u32 s1, $0xD;
	s1 =	sshrl.u32 s1, $0x2  }
0xba: {  	s3 =	sand.u32 $0x4000, s31;
	s1 =	sadd.s32 s1, s30  }
0xbb: {  	s0 =	sor.u32 s3, s0;
	s1 =	sshll.u32 s1, $0x11  }
0xbc: {  	s0 =	sor.u32 s1, s0  }
0xbd: {  	s0 =	sadd.s32 $0x8F2B, s0  }
0xbe: {  	[sflag:s0] =	ssyncadd.remote.s32 $0x1  }
0xbf: {  	_ =	sfence.sel $0xFFFF  }
0xc0: {  	[dreg:$0x0] =	wrdreg $0xFFFFFFFF;
	(pc) =	sbr.abs _section_cstart, $3  }
0xc1: {  	[dreg:$0x1] =	wrdreg $0xFFFFFFFF  }
0xc2: {  	_ =	task.clear_ibuf [dreg:s7], $0x2FFFF;
	_ =	strace $0x9FFFFFFF  }
0xc3: {  	(tm) =	ssettm $0x7FFFFFFF  }
tec
execute0_lowered:
.L_overlay_start_1:
0x0: {  	(tag) =	ssettag $0x1  }
0x1: {  	s0 =	srdreg.scid;
	s1 =	rddreg [dreg:$0x0]  }
0x2: {  	s15 =	stileid.u32;
	s8 =	rddreg [dreg:$0x1]  }
0x3: {  	s3 =	rddreg [dreg:$0x2];
	s4 =	simm.s32 $0x0;
	s17 =	simm.s32 $0x7  }
0x4: {  	s18 =	simm.s32 $0x2780;
	s20 =	simm.s32 $0x40;
	s21 =	simm.s32 $0x2880  }
0x5: {  	s22 =	simm.s32 $0x1;
	s28 =	simm.s32 $0x6;
	s29 =	simm.s32 $0x4  }
0x6: {  	s30 =	simm.s32 $0x2800;
	s31 =	simm.s32 $0x4880;
	s0 =	sand.u32 $0x1, s0  }
0x7: {  	[smem:$0x7FF] =	sst s4;
	s10 =	smul.u32 $0x14000, s15;
	s6 =	sadd.s32 $0x1800, s8  }
0x8: {  	s7 =	sadd.s32 $0x15400, s8;
	s13 =	sadd.s32 $0x4F7400, s8;
	s14 =	smul.u32 $0x50000, s15  }
0x9: {  	s26 =	sshll.u32 s15, $0x6;
	s2 =	sshll.u32 s0, $0x4;
	s9 =	smul.u32 $0x140000, s0  }
0xa: {  	_ =	strace $0x80000047;
	[dreg:$0x4] =	wrdreg s13;
	s0 =	ssub.s32 $0x2, s0  }
0xb: {  	s2 =	sor.u32 s15, s2;
	s24 =	sshrl.u32 s0, $0x1;
	s25 =	sshrl.u32 s14, $0x2  }
0xc: {  	s2 =	smul.u32 $0x1388, s2;
	s9 =	sadd.s32 s10, s9;
	s0 =	ssub.s32 s0, s24  }
0xd: {  	s16 =	sadd.s32 s25, s3;
	s24 =	simm.s32 $0x3;
	s25 =	simm.s32 $0x8  }
0xe: {  	s9 =	sshrl.u32 s9, $0x3;
	s15 =	smax.u32 s0, $0x1;
	s16 =	sshrl.u32 s16, $0x3  }
0xf: {  	s5 =	sshrl.u32 s2, $0x5;
	s23 =	sadd.s32 $0x1388, s2;
	s2 =	sshll.u32 s2, $0x5  }
0x10: {  	s11 =	sshll.u32 s5, $0x3;
	s10 =	sshrl.u32 s23, $0x5;
	s2 =	sand.u32 $0x7FFC00, s2  }
.Ltmp0:
0x11: {  	s23 =	simm.s32 $0x5;
	s12 =	sadd.s32 s11, s8;
	(pc) =	sbr.rel .LBB2_1-.Ltmp0, $4  }
0x12: {  	s8 =	sadd.s32 s9, s8;
	s9 =	ssub.s32 s10, s5;
	s11 =	sadd.s32 s6, s11  }
0x13: {  	s10 =	sor.u32 $0x1C07, s26;
	s2 =	sadd.s32 s7, s2;
	[dreg:$0x6] =	wrdreg s11  }
0x14: {  	s26 =	simm.s32 $0x2;
	s12 =	sadd.s32 $0xB600, s12;
	[dreg:$0x7] =	wrdreg s2  }
0x15: {  	s14 =	sadd.s32 $0x4F9C00, s8;
	s2 =	simm.s32 $0x0;
	[dreg:$0x5] =	wrdreg s12  }
.LBB2_11:
0x16: {  	s2 =	sadd.s32 $0x1, s2  }
0x17: {  	p0 =	sne.s32 s2, s15  }
.Ltmp1:
0x18: {  	[bflag:$0x0] =	sbarrier.arrive $0xFFFF;
	(pc) =	sbr.rel @!p0 .LBB2_12-.Ltmp1, $4  }
0x19: {  	[hbm:s14], [sflag:s10] =	dma.local [spmem:s16], $0x2800  }
0x1a: {  	_ =	swait.ge [sflag:s17], $0x2800  }
0x1b: {  	[sflag:s17] =	ssyncset.done $0x0  }
0x1c: {  	[sflag:s17] =	ssyncadd.s32 $0xFFFFD800  }
.LBB2_1:
0x1d: {  	s0 =	rddreg [dreg:$0x4]  }
0x1e: {  	[spmem:s16], [sflag:s10] =	dma.local [hbm:s0], $0x2800  }
0x1f: {  	_ =	swait.ge [sflag:s17], $0x2800  }
0x20: {  	[sflag:s17] =	ssyncset.done $0x0  }
0x21: {  	s12 =	rddreg [dreg:$0x5];
	[sflag:s17] =	ssyncadd.s32 $0xFFFFD800  }
0x22: {  	[tilespmem:s4], [sflag:$0x7] =	stream.linear.gather [hbm4b:s12+s4], $0x2740, $0x38;
	[tilespmem:$0x1E880] =	vst v63  }
0x23: {  	_ =	swait.ge [sflag:s17], $0x2740  }
0x24: {  	[sflag:s17] =	ssyncset.done $0x0  }
0x25: {  	[sflag:s17] =	ssyncadd.s32 $0xFFFFD8C0  }
0x26: {  	[bflag:$0x0] =	sbarrier.arrive $0xFFFF  }
0x27: {  	s13 =	rddreg [dreg:$0x6]  }
0x28: {  	[tilespmem:s18], [sflag:$0x1] =	stream.linear.gather [hbm4b:s13+s4], $0x40, $0x38;
	[tilespmem:$0x1E880] =	vst v63  }
.Ltmp2:
0x29: {  	_ = 	snop;
	(pc) =	sbr.rel .LBB2_2-.Ltmp2, $4  }
0x2a: {  	s8 =	simm.s32 $0x6880;
	s19 =	rddreg [dreg:$0x7]  }
0x2b: {  	[tilespmem:s8], [sflag:$0x5] =	stream.linear.gather [hbm4b:s19+s4], $0x2000, $0x38;
	[tilespmem:$0x1E880] =	vst v63  }
0x2c: {  	s0 =	simm.s32 $0x0  }
0x2d: {  	[tilespmem:s21], [sflag:$0x3] =	stream.indirect.gather [hbm4b:s1+s20], $0x80, s4, s20, $0xb8;
	[tilespmem:$0x1E880] =	vst v63  }
.LBB2_10:
0x2e: {  	s0 =	sadd.s32 $0x1, s0  }
0x2f: {  	p0 =	sne.s32 s0, $0x4F  }
.Ltmp3:
0x30: {  	_ = 	snop;
	(pc) =	sbr.rel @!p0 .LBB2_11-.Ltmp3, $1  }
0x31: {  	_ =	sdelay $0x3  }
.LBB2_2:
0x32: {  	s8 =	sshllo.u32 s0, $0x1  }
0x33: {  	p0 =	sge.s32 s8, s9  }
0x34: {  	s11 =	sadd.s32 @!p0 s5, s8  }
0x35: {  	s19 =	sshll.u32 @!p0 s11, $0x3  }
0x36: {  	s12 =	simm.s32 @!p0 $0x0;
	s13 =	simm.s32 @!p0 $0x2800;
	s19 =	sadd.s32 @!p0 s6, s19  }
0x37: {  	[tilespmem:s13], [sflag:$0x2] =	stream.linear.gather @!p0 [hbm4b:s19+s12], $0x40, $0x38;
	[tilespmem:$0x1E880] =	vst v63  }
0x38: {  	s19 =	sshll.u32 s0, $0x1  }
0x39: {  	p1 =	sge.s32 s19, s9  }
.Ltmp4:
0x3a: {  	s11 =	sshll.u32 @!p0 s11, $0xA;
	(pc) =	sbr.rel @p1 .LBB2_6-.Ltmp4, $4  }
0x3b: {  	s8 =	sshll.u32 @!p0 s8, $0x6;
	s11 =	sadd.s32 @!p0 s7, s11;
	s13 =	simm.s32 @!p0 $0x8880  }
0x3c: {  	[tilespmem:s13], [sflag:$0x6] =	stream.linear.gather @!p0 [hbm4b:s11+s12], $0x2000, $0x38;
	[tilespmem:$0x1E880] =	vst v63  }
0x3d: {  	s8 =	sand.u32 @!p0 $0x3FFFFFC0, s8;
	s11 =	simm.s32 @!p0 $0x40;
	s12 =	simm.s32 @!p0 $0x4880  }
0x3e: {  	[tilespmem:s12], [sflag:$0x4] =	stream.indirect.gather @!p0 [hbm4b:s1+s11], $0x80, s8, s11, $0xb8;
	[tilespmem:$0x1E880] =	vst v63  }
0x3f: {  	_ =	swait.ge [sflag:s22], $0x40  }
0x40: {  	[sflag:s22] =	ssyncset.done $0x0  }
0x41: {  	[sflag:s22] =	ssyncadd.s32 $0xFFFFFFC0  }
0x42: {  	_ =	swait.ge [sflag:s23], $0x2000  }
0x43: {  	[sflag:s23] =	ssyncset.done $0x0  }
0x44: {  	[sflag:s23] =	ssyncadd.s32 $0xFFFFE000  }
0x45: {  	_ =	swait.ge [sflag:s24], $0x2000  }
0x46: {  	[sflag:s24] =	ssyncset.done $0x0  }
0x47: {  	s8 =	simm.s32 $0x0;
	[sflag:s24] =	ssyncadd.s32 $0xFFFFE000  }
0x48: {  	v7 =	vld [tilespmem:s8+$0x6880]  }
0x49: {  	v11 =	vld [tilespmem:s8+$0x6890]  }
0x4a: {  	v5 =	vld [tilespmem:s8+$0x68A0]  }
0x4b: {  	v4 =	vld [tilespmem:s8+$0x68B0]  }
0x4c: {  	v3 =	vld [tilespmem:s8+$0x68C0]  }
0x4d: {  	v2 =	vld [tilespmem:s8+$0x68D0]  }
0x4e: {  	v1 =	vld [tilespmem:s8+$0x68E0]  }
0x4f: {  	v0 =	vld [tilespmem:s8+$0x68F0]  }
0x50: {  	v12 =	vld [tilespmem:s8+$0x2880]  }
0x51: {  	v13 =	vld [tilespmem:s8+$0x2890]  }
0x52: {  	v10 =	vld [tilespmem:s8+$0x28A0]  }
0x53: {  	v9 =	vld [tilespmem:s8+$0x28B0]  }
0x54: {  	v8 =	vld [tilespmem:s8+$0x28C0]  }
0x55: {  	v6 =	vld [tilespmem:s8+$0x28D0];
	v12 =	vmul.f32 v7, v12  }
0x56: {  	s11 =	simm.s32 $0x200;
	v11 =	vmul.f32 v11, v13;
	v7 =	vld [tilespmem:s8+$0x28E0]  }
.LBB2_4:
0x57: {  	s12 =	sshra.s32 s11, $0x2;
	p1 =	sne.s32 s11, $0x7E00;
	[tilespmem:s8+$0x2880] =	vst v12;
	v5 =	vmul.f32 v5, v10;
	v10 =	vld [tilespmem:s8+$0x28F0]  }
0x58: {  	v12 =	vld [tilespmem:s12+$0x6880];
	[tilespmem:s8+$0x2890] =	vst v11;
	v4 =	vmul.f32 v4, v9  }
0x59: {  	v11 =	vld [tilespmem:s12+$0x6890];
	[tilespmem:s8+$0x28A0] =	vst v5;
	v3 =	vmul.f32 v3, v8  }
0x5a: {  	v5 =	vld [tilespmem:s12+$0x68A0];
	[tilespmem:s8+$0x28B0] =	vst v4;
	v2 =	vmul.f32 v2, v6  }
0x5b: {  	v4 =	vld [tilespmem:s12+$0x68B0];
	[tilespmem:s8+$0x28C0] =	vst v3;
	v1 =	vmul.f32 v1, v7  }
0x5c: {  	v3 =	vld [tilespmem:s12+$0x68C0];
	[tilespmem:s8+$0x28D0] =	vst v2;
	v0 =	vmul.f32 v0, v10  }
0x5d: {  	v2 =	vld [tilespmem:s12+$0x68D0];
	[tilespmem:s8+$0x28E0] =	vst v1  }
0x5e: {  	v1 =	vld [tilespmem:s12+$0x68E0];
	[tilespmem:s8+$0x28F0] =	vst v0;
	s8 =	smov.u32 s12  }
0x5f: {  	v0 =	vld [tilespmem:s8+$0x68F0]  }
0x60: {  	v6 =	vld [tilespmem:s8+$0x2880]  }
0x61: {  	v7 =	vld [tilespmem:s8+$0x2890]  }
.Ltmp5:
0x62: {  	v10 =	vld [tilespmem:s8+$0x28A0];
	(pc) =	sbr.rel @p1 .LBB2_4-.Ltmp5, $4  }
0x63: {  	v9 =	vld [tilespmem:s8+$0x28B0]  }
0x64: {  	v8 =	vld [tilespmem:s8+$0x28C0]  }
0x65: {  	v12 =	vmul.f32 v12, v6;
	v6 =	vld [tilespmem:s8+$0x28D0]  }
0x66: {  	s11 =	sadd.s32 $0x200, s11;
	v11 =	vmul.f32 v11, v7;
	v7 =	vld [tilespmem:s8+$0x28E0]  }
0x67: {  	[tilespmem:s8+$0x2880] =	vst v12;
	v5 =	vmul.f32 v5, v10;
	v63 =	vld [tilespmem:s8+$0x28F0]  }
0x68: {  	[tilespmem:s8+$0x2890] =	vst v11;
	v4 =	vmul.f32 v4, v9  }
0x69: {  	[tilespmem:s8+$0x28A0] =	vst v5;
	v3 =	vmul.f32 v3, v8  }
0x6a: {  	[tilespmem:s8+$0x28B0] =	vst v4;
	v2 =	vmul.f32 v2, v6  }
0x6b: {  	[tilespmem:s8+$0x28C0] =	vst v3;
	v1 =	vmul.f32 v1, v7  }
0x6c: {  	[tilespmem:s8+$0x28D0] =	vst v2;
	v0 =	vmul.f32 v0, v63  }
0x6d: {  	[tilespmem:s8+$0x28E0] =	vst v1  }
0x6e: {  	[tilespmem:s8+$0x28F0] =	vst v0  }
0x6f: {  	[spmem:s3] =	stream.indirect.scatter.add.f32 [tilespmem:s21], [sflag:$0x8], $0x80, s18, s20, $0xb8;
	[tilespmem:$0x1E880] =	vst v63  }
0x70: {  	_ =	swait.ge [sflag:s25], $0x2000  }
0x71: {  	[sflag:s25] =	ssyncset.done $0x0  }
0x72: {  	[sflag:s25] =	ssyncadd.s32 $0xFFFFE000  }
.LBB2_6:
0x73: {  	s8 =	sadd.s32 $0x2, s19  }
0x74: {  	p1 =	sge.s32 s8, s9  }
0x75: {  	s11 =	sadd.s32 @!p1 s5, s8  }
0x76: {  	s12 =	sshll.u32 @!p1 s11, $0x3  }
0x77: {  	s13 =	simm.s32 @!p1 $0x0;
	s19 =	simm.s32 @!p1 $0x2780;
	s12 =	sadd.s32 @!p1 s6, s12  }
0x78: {  	[tilespmem:s19], [sflag:$0x1] =	stream.linear.gather @!p1 [hbm4b:s12+s13], $0x40, $0x38;
	[tilespmem:$0x1E880] =	vst v63  }
.Ltmp6:
0x79: {  	s11 =	sshll.u32 @!p1 s11, $0xA;
	(pc) =	sbr.rel @p0 .LBB2_10-.Ltmp6, $4  }
0x7a: {  	s8 =	sshll.u32 @!p1 s8, $0x6;
	s11 =	sadd.s32 @!p1 s7, s11;
	s12 =	simm.s32 @!p1 $0x6880  }
0x7b: {  	[tilespmem:s12], [sflag:$0x5] =	stream.linear.gather @!p1 [hbm4b:s11+s13], $0x2000, $0x38;
	[tilespmem:$0x1E880] =	vst v63  }
0x7c: {  	s8 =	sand.u32 @!p1 $0x3FFFFFC0, s8;
	s11 =	simm.s32 @!p1 $0x40;
	s12 =	simm.s32 @!p1 $0x2880  }
0x7d: {  	[tilespmem:s12], [sflag:$0x3] =	stream.indirect.gather @!p1 [hbm4b:s1+s11], $0x80, s8, s11, $0xb8;
	[tilespmem:$0x1E880] =	vst v63  }
0x7e: {  	_ =	swait.ge [sflag:s26], $0x40  }
0x7f: {  	[sflag:s26] =	ssyncset.done $0x0  }
0x80: {  	[sflag:s26] =	ssyncadd.s32 $0xFFFFFFC0  }
0x81: {  	_ =	swait.ge [sflag:s28], $0x2000  }
0x82: {  	[sflag:s28] =	ssyncset.done $0x0  }
0x83: {  	[sflag:s28] =	ssyncadd.s32 $0xFFFFE000  }
0x84: {  	_ =	swait.ge [sflag:s29], $0x2000  }
0x85: {  	[sflag:s29] =	ssyncset.done $0x0  }
0x86: {  	s8 =	simm.s32 $0x0;
	[sflag:s29] =	ssyncadd.s32 $0xFFFFE000  }
0x87: {  	v7 =	vld [tilespmem:s8+$0x8880]  }
0x88: {  	v11 =	vld [tilespmem:s8+$0x8890]  }
0x89: {  	v5 =	vld [tilespmem:s8+$0x88A0]  }
0x8a: {  	v4 =	vld [tilespmem:s8+$0x88B0]  }
0x8b: {  	v3 =	vld [tilespmem:s8+$0x88C0]  }
0x8c: {  	v2 =	vld [tilespmem:s8+$0x88D0]  }
0x8d: {  	v1 =	vld [tilespmem:s8+$0x88E0]  }
0x8e: {  	v0 =	vld [tilespmem:s8+$0x88F0]  }
0x8f: {  	v12 =	vld [tilespmem:s8+$0x4880]  }
0x90: {  	v13 =	vld [tilespmem:s8+$0x4890]  }
0x91: {  	v10 =	vld [tilespmem:s8+$0x48A0]  }
0x92: {  	v9 =	vld [tilespmem:s8+$0x48B0]  }
0x93: {  	v8 =	vld [tilespmem:s8+$0x48C0]  }
0x94: {  	v6 =	vld [tilespmem:s8+$0x48D0];
	v12 =	vmul.f32 v7, v12  }
0x95: {  	s11 =	simm.s32 $0x200;
	v11 =	vmul.f32 v11, v13;
	v7 =	vld [tilespmem:s8+$0x48E0]  }
.LBB2_8:
0x96: {  	s12 =	sshra.s32 s11, $0x2;
	p0 =	sne.s32 s11, $0x7E00;
	[tilespmem:s8+$0x4880] =	vst v12;
	v5 =	vmul.f32 v5, v10;
	v10 =	vld [tilespmem:s8+$0x48F0]  }
0x97: {  	v12 =	vld [tilespmem:s12+$0x8880];
	[tilespmem:s8+$0x4890] =	vst v11;
	v4 =	vmul.f32 v4, v9  }
0x98: {  	v11 =	vld [tilespmem:s12+$0x8890];
	[tilespmem:s8+$0x48A0] =	vst v5;
	v3 =	vmul.f32 v3, v8  }
0x99: {  	v5 =	vld [tilespmem:s12+$0x88A0];
	[tilespmem:s8+$0x48B0] =	vst v4;
	v2 =	vmul.f32 v2, v6  }
0x9a: {  	v4 =	vld [tilespmem:s12+$0x88B0];
	[tilespmem:s8+$0x48C0] =	vst v3;
	v1 =	vmul.f32 v1, v7  }
0x9b: {  	v3 =	vld [tilespmem:s12+$0x88C0];
	[tilespmem:s8+$0x48D0] =	vst v2;
	v0 =	vmul.f32 v0, v10  }
0x9c: {  	v2 =	vld [tilespmem:s12+$0x88D0];
	[tilespmem:s8+$0x48E0] =	vst v1  }
0x9d: {  	v1 =	vld [tilespmem:s12+$0x88E0];
	[tilespmem:s8+$0x48F0] =	vst v0;
	s8 =	smov.u32 s12  }
0x9e: {  	v0 =	vld [tilespmem:s8+$0x88F0]  }
0x9f: {  	v6 =	vld [tilespmem:s8+$0x4880]  }
0xa0: {  	v7 =	vld [tilespmem:s8+$0x4890]  }
.Ltmp7:
0xa1: {  	v10 =	vld [tilespmem:s8+$0x48A0];
	(pc) =	sbr.rel @p0 .LBB2_8-.Ltmp7, $4  }
0xa2: {  	v9 =	vld [tilespmem:s8+$0x48B0]  }
0xa3: {  	v8 =	vld [tilespmem:s8+$0x48C0]  }
0xa4: {  	v12 =	vmul.f32 v12, v6;
	v6 =	vld [tilespmem:s8+$0x48D0]  }
0xa5: {  	s11 =	sadd.s32 $0x200, s11;
	v11 =	vmul.f32 v11, v7;
	v7 =	vld [tilespmem:s8+$0x48E0]  }
0xa6: {  	[tilespmem:s8+$0x4880] =	vst v12;
	v5 =	vmul.f32 v5, v10;
	v63 =	vld [tilespmem:s8+$0x48F0]  }
0xa7: {  	[tilespmem:s8+$0x4890] =	vst v11;
	v4 =	vmul.f32 v4, v9  }
0xa8: {  	[tilespmem:s8+$0x48A0] =	vst v5;
	v3 =	vmul.f32 v3, v8  }
0xa9: {  	[tilespmem:s8+$0x48B0] =	vst v4;
	v2 =	vmul.f32 v2, v6  }
0xaa: {  	[tilespmem:s8+$0x48C0] =	vst v3;
	v1 =	vmul.f32 v1, v7  }
0xab: {  	[tilespmem:s8+$0x48D0] =	vst v2;
	v0 =	vmul.f32 v0, v63  }
0xac: {  	[tilespmem:s8+$0x48E0] =	vst v1  }
.Ltmp8:
0xad: {  	[tilespmem:s8+$0x48F0] =	vst v0;
	(pc) =	sbr.rel .LBB2_10-.Ltmp8, $4  }
0xae: {  	[spmem:s3] =	stream.indirect.scatter.add.f32 [tilespmem:s31], [sflag:$0x7], $0x80, s30, s20, $0xb8;
	[tilespmem:$0x1E880] =	vst v63  }
0xaf: {  	_ =	swait.ge [sflag:s17], $0x2000  }
0xb0: {  	[sflag:s17] =	ssyncset.done $0x0  }
0xb1: {  	[sflag:s17] =	ssyncadd.s32 $0xFFFFE000  }
.LBB2_12:
0xb2: {  	_ =	sfence.sel $0x180000  }
0xb3: {  	[bflag:$0x0] =	sbarrier.arrive $0xFFFF  }
0xb4: {  	_ =	strace $0x90000047  }
0xb5: {  	s0 =	stileid.u32;
	[bflag:$0x2] =	sbarrier.arrive $0xFFFF  }
0xb6: {  	p0 =	sne.s32 s0, $0x0;
	s0 =	rddreg [dreg:$0x3]  }
0xb7: {  	s0 =	sadd.s32 @!p0 $0x100000, s0  }
0xb8: {  	[sflag:s0] =	ssyncadd.tile.s32 @!p0 $0x1;
	_ =	shalt  }
.Lfunc_end2:
_tile_overlayer_lowered:
.L_overlay_start_2:
0xb9: {  	(tag) =	ssettag $0x2  }
0xba: {  	s0 =	rddreg [dreg:$0x0];
	s2 =	stileid.u32  }
0xbb: {  	s1 =	rddreg [dreg:$0x1];
	p0 =	sne.s32 s2, $0x0  }
0xbc: {  	s3 =	rddreg [dreg:$0x2];
	[bflag:$0x3] =	sbarrier.arrive $0xFFFF;
	s2 =	simm.s32 @!p0 $0x1C07  }
0xbd: {  	[timem:s3], [sflag:s2] =	dma.local @!p0 [hbm:s0], s1  }
0xbe: {  	s0 =	simm.s32 @!p0 $0x7  }
0xbf: {  	_ =	swait.ge @!p0 [sflag:s0], s1  }
0xc0: {  	s1 =	ssub.s32 @!p0 $0x0, s1;
	[sflag:s0] =	ssyncset.done @!p0 $0x0  }
0xc1: {  	[sflag:s0] =	ssyncadd.s32 @!p0 s1  }
0xc2: {  	[bflag:$0x3] =	sbarrier.arrive $0xFFFF  }
0xc3: {  	_ =	shalt  }

</sc_bundles>
